<compile_context>
chip_gen: v7x
topology: tpu7x:2x2x1
jax: 0.10.2.dev20260603
libtpu: 0.0.44.dev20260713+nightly
codegen_flags: <defaults>
</compile_context>

<pallas_src>
import functools

import jax
import jax.numpy as jnp
from jax import lax
from jax.experimental import pallas as pl
from jax.experimental.pallas import tpu as pltpu
from jax.experimental.pallas import tpu_sc as plsc

B = 8
N = 4096
S = 1024
K = 16
CIN = 128
COUT = 256
EPS = 1e-5
ROWS = B * S * K
TW = 144
RT = 512
M = float(ROWS)
F32 = jnp.float32

NC = 2
NS = 16
NW = NC * NS
GCH = 128


def _fps_body(xyz_ref, cx_ref, cy_ref, cz_ref):
    x = xyz_ref[:, 0, :]
    y = xyz_ref[:, 1, :]
    z = xyz_ref[:, 2, :]
    col = lax.broadcasted_iota(jnp.int32, (B, N), 1)
    cols = lax.broadcasted_iota(jnp.int32, (B, S), 1)

    def body(i, carry):
        dist, far, cxs, cys, czs = carry
        m = col == far
        cx = jnp.sum(jnp.where(m, x, 0.0), axis=1, keepdims=True)
        cy = jnp.sum(jnp.where(m, y, 0.0), axis=1, keepdims=True)
        cz = jnp.sum(jnp.where(m, z, 0.0), axis=1, keepdims=True)
        slot = cols == i
        cxs = jnp.where(slot, cx, cxs)
        cys = jnp.where(slot, cy, cys)
        czs = jnp.where(slot, cz, czs)
        dx = x - cx
        dy = y - cy
        dz = z - cz
        d = dx * dx + dy * dy + dz * dz
        dist = jnp.minimum(dist, d)
        mx = jnp.max(dist, axis=1, keepdims=True)
        far = jnp.min(jnp.where(dist == mx, col, N), axis=1, keepdims=True)
        return dist, far, cxs, cys, czs

    dist0 = jnp.full((B, N), 1e10, dtype=F32)
    far0 = jnp.zeros((B, 1), dtype=jnp.int32)
    z0 = jnp.zeros((B, S), dtype=F32)
    _, _, cxs, cys, czs = lax.fori_loop(
        0, S, body, (dist0, far0, z0, z0, z0))
    cx_ref[...] = cxs
    cy_ref[...] = cys
    cz_ref[...] = czs


def _run_fps(xyz):
    out = jax.ShapeDtypeStruct((B, S), F32)
    return pl.pallas_call(
        _fps_body,
        out_shape=(out, out, out),
    )(xyz)


SB = 256


HB = 8
RH = HB * S * K


def _knn_body(b_off, xyz_ref, nx_ref, idx_ref):
    b = pl.program_id(0) + b_off
    x = xyz_ref[:, 0, :]
    y = xyz_ref[:, 1, :]
    z = xyz_ref[:, 2, :]
    nx = nx_ref[0]
    cx = nx[:, 0:1]
    cy = nx[:, 1:2]
    cz = nx[:, 2:3]
    dx = cx - x
    dy = cy - y
    dz = cz - z
    d2 = dx * dx + dy * dy + dz * dz
    base = b * N
    HN = N // 2
    colh = lax.broadcasted_iota(jnp.int32, (SB, HN), 1)
    BIG = jnp.float32(3e38)
    d2l, d2r = d2[:, :HN], d2[:, HN:]
    t0 = d2l <= d2r
    av = jnp.where(t0, d2l, d2r)
    ai = jnp.where(t0, colh, colh + HN)
    bv = jnp.where(t0, d2r, d2l)
    bi = jnp.where(t0, colh + HN, colh)
    for k in range(K):
        m = jnp.min(av, axis=1, keepdims=True)
        sel = jnp.min(jnp.where(av == m, ai, N), axis=1, keepdims=True)
        idx_ref[0, :, k] = sel[:, 0] + base
        pm = ai == sel
        av = jnp.where(pm, bv, av)
        ai = jnp.where(pm, bi, ai)
        bv = jnp.where(pm, BIG, bv)


def _run_knn(xyz, nx_bs3, b_off):
    return pl.pallas_call(
        functools.partial(_knn_body, b_off),
        grid=(HB, S // SB),
        in_specs=[
            pl.BlockSpec((1, 3, N), lambda b, s: (b + b_off, 0, 0)),
            pl.BlockSpec((1, SB, 3), lambda b, s: (b + b_off, s, 0)),
        ],
        out_specs=pl.BlockSpec((1, SB, K), lambda b, s: (b, s, 0)),
        out_shape=jax.ShapeDtypeStruct((HB, S, K), jnp.int32),
    )(xyz, nx_bs3)


def _sc_gather_body(nrows, table_hbm, idx_hbm, out_hbm, idx_v, rows_v, sem):
    nch = nrows // (NW * GCH)
    wid = lax.axis_index("s") * NC + lax.axis_index("c")
    base = wid * (nrows // NW)
    pltpu.sync_copy(idx_hbm.at[pl.dslice(wid * nch, nch)], idx_v)

    def chunk(j, _):
        pltpu.async_copy(table_hbm.at[idx_v.at[j]], rows_v, sem).wait()
        pltpu.sync_copy(rows_v, out_hbm.at[pl.dslice(base + j * GCH, GCH)])
        return 0

    lax.fori_loop(0, nch, chunk, 0)


@functools.cache
def _build_gather(nrows):
    nch = nrows // (NW * GCH)
    return pl.kernel(
        functools.partial(_sc_gather_body, nrows),
        mesh=plsc.VectorSubcoreMesh(core_axis_name="c", subcore_axis_name="s"),
        out_type=jax.ShapeDtypeStruct((nrows, TW), F32),
        scratch_types=[
            pltpu.VMEM((nch, GCH), jnp.int32),
            pltpu.VMEM((GCH, TW), F32),
            pltpu.SemaphoreType.DMA,
        ],
        compiler_params=pltpu.CompilerParams(use_tc_tiling_on_sc=False),
    )


def _run_gather(table, idx2d):
    nrows = idx2d.shape[0] * idx2d.shape[1]
    return _build_gather(nrows)(table, idx2d)


NT = ROWS // RT
SPT = RT // K


def _mlp1_body(g_ref, nx_ref, w1p_ref, w1x_ref, h1_ref, gxn_ref, s1_ref, q1_ref):
    t = pl.program_id(0)
    g = g_ref[...]
    p = g[:, 0:CIN]
    gx8 = g[:, CIN:CIN + 8]
    nx = nx_ref[...]
    dx8 = (gx8.reshape(SPT, K, 8) - nx[:, None, :]).reshape(RT, 8)
    h1 = jnp.dot(p, w1p_ref[...], preferred_element_type=F32) + jnp.dot(
        dx8, w1x_ref[...], preferred_element_type=F32)
    h1_ref[...] = h1
    gxn_ref[...] = dx8

    @pl.when(t == 0)
    def _():
        s1_ref[...] = jnp.zeros_like(s1_ref)
        q1_ref[...] = jnp.zeros_like(q1_ref)

    s1_ref[...] += jnp.sum(h1, axis=0, keepdims=True)
    q1_ref[...] += jnp.sum(h1 * h1, axis=0, keepdims=True)


def _run_mlp1(gflat, nxf, w1pT, w1xT):
    rows = gflat.shape[0]
    return pl.pallas_call(
        _mlp1_body,
        grid=(rows // RT,),
        in_specs=[
            pl.BlockSpec((RT, TW), lambda t: (t, 0)),
            pl.BlockSpec((SPT, 8), lambda t: (t, 0)),
            pl.BlockSpec((CIN, CIN), lambda t: (0, 0)),
            pl.BlockSpec((8, CIN), lambda t: (0, 0)),
        ],
        out_specs=[
            pl.BlockSpec((RT, CIN), lambda t: (t, 0)),
            pl.BlockSpec((RT, 8), lambda t: (t, 0)),
            pl.BlockSpec((8, CIN), lambda t: (0, 0)),
            pl.BlockSpec((8, CIN), lambda t: (0, 0)),
        ],
        out_shape=[
            jax.ShapeDtypeStruct((rows, CIN), F32),
            jax.ShapeDtypeStruct((rows, 8), F32),
            jax.ShapeDtypeStruct((8, CIN), F32),
            jax.ShapeDtypeStruct((8, CIN), F32),
        ],
    )(gflat, nxf, w1pT, w1xT)


def _mlp2_body(h1_ref, s1_ref, q1_ref, g1_ref, be1_ref, w2_ref,
               h2_ref, s2_ref, q2_ref):
    t = pl.program_id(0)
    mean = s1_ref[0:1, :] * (1.0 / M)
    var = q1_ref[0:1, :] * (1.0 / M) - mean * mean
    scale = g1_ref[...] * lax.rsqrt(var + EPS)
    shift = be1_ref[...] - mean * scale
    y = jnp.maximum(h1_ref[...] * scale + shift, 0.0)
    h2 = jnp.dot(y, w2_ref[...], preferred_element_type=F32)
    h2_ref[...] = h2

    @pl.when(t == 0)
    def _():
        s2_ref[...] = jnp.zeros_like(s2_ref)
        q2_ref[...] = jnp.zeros_like(q2_ref)

    s2_ref[...] += jnp.sum(h2, axis=0, keepdims=True)
    q2_ref[...] += jnp.sum(h2 * h2, axis=0, keepdims=True)


def _run_mlp2(h1, s1, q1, g1r, be1r, w2T):
    return pl.pallas_call(
        _mlp2_body,
        grid=(NT,),
        in_specs=[
            pl.BlockSpec((RT, CIN), lambda t: (t, 0)),
            pl.BlockSpec((8, CIN), lambda t: (0, 0)),
            pl.BlockSpec((8, CIN), lambda t: (0, 0)),
            pl.BlockSpec((1, CIN), lambda t: (0, 0)),
            pl.BlockSpec((1, CIN), lambda t: (0, 0)),
            pl.BlockSpec((CIN, COUT), lambda t: (0, 0)),
        ],
        out_specs=[
            pl.BlockSpec((RT, COUT), lambda t: (t, 0)),
            pl.BlockSpec((8, COUT), lambda t: (0, 0)),
            pl.BlockSpec((8, COUT), lambda t: (0, 0)),
        ],
        out_shape=[
            jax.ShapeDtypeStruct((ROWS, COUT), F32),
            jax.ShapeDtypeStruct((8, COUT), F32),
            jax.ShapeDtypeStruct((8, COUT), F32),
        ],
    )(h1, s1, q1, g1r, be1r, w2T)


TPB = NT // B


def _mlp3_body(h2_ref, s2_ref, q2_ref, g2_ref, be2_ref, h_ref, pool_ref):
    mean = s2_ref[0:1, :] * (1.0 / M)
    var = q2_ref[0:1, :] * (1.0 / M) - mean * mean
    scale = g2_ref[...] * lax.rsqrt(var + EPS)
    shift = be2_ref[...] - mean * scale
    y = jnp.maximum(h2_ref[...] * scale + shift, 0.0)
    h_ref[0] = y.T
    pm = jnp.max(y.reshape(SPT, K, COUT), axis=1)
    pool_ref[0] = pm.T


def _run_mlp3(h2, s2, q2, g2r, be2r):
    return pl.pallas_call(
        _mlp3_body,
        grid=(NT,),
        in_specs=[
            pl.BlockSpec((RT, COUT), lambda t: (t, 0)),
            pl.BlockSpec((8, COUT), lambda t: (0, 0)),
            pl.BlockSpec((8, COUT), lambda t: (0, 0)),
            pl.BlockSpec((1, COUT), lambda t: (0, 0)),
            pl.BlockSpec((1, COUT), lambda t: (0, 0)),
        ],
        out_specs=[
            pl.BlockSpec((1, COUT, RT), lambda t: (t // TPB, 0, t % TPB)),
            pl.BlockSpec((1, COUT, SPT), lambda t: (t, 0, 0)),
        ],
        out_shape=[
            jax.ShapeDtypeStruct((B, COUT, S * K), F32),
            jax.ShapeDtypeStruct((NT, COUT, SPT), F32),
        ],
    )(h2, s2, q2, g2r, be2r)


def kernel(xyz, points, W1, b1, g1, be1, W2, b2, g2, be2):
    xyz = xyz.astype(F32)
    points = points.astype(F32)

    cx, cy, cz = _run_fps(xyz)
    nx_bs3 = jnp.stack([cx, cy, cz], axis=-1)
    new_xyz_out = jnp.stack([cx, cy, cz], axis=1)

    table = jnp.concatenate(
        [
            jnp.transpose(points, (0, 2, 1)),
            jnp.transpose(xyz, (0, 2, 1)),
            jnp.zeros((B, N, TW - CIN - 3), dtype=F32),
        ],
        axis=-1,
    ).reshape(B * N, TW)
    nxf = jnp.concatenate(
        [nx_bs3, jnp.zeros((B, S, 5), dtype=F32)], axis=-1
    ).reshape(B * S, 8)
    w1pT = jnp.transpose(W1[:, 3:])
    w1xT = jnp.transpose(
        jnp.concatenate([W1[:, :3], jnp.zeros((CIN, 5), dtype=F32)], axis=1)
    )

    h1s, gxns, s1s, q1s = [], [], [], []
    for h in range(B // HB):
        idx_h = _run_knn(xyz, nx_bs3, h * HB)
        g_h = _run_gather(table, idx_h.reshape(RH // GCH, GCH))
        nxf_h = nxf[h * HB * S:(h + 1) * HB * S]
        h1_h, gxn_h, s1_h, q1_h = _run_mlp1(g_h, nxf_h, w1pT, w1xT)
        h1s.append(h1_h)
        gxns.append(gxn_h)
        s1s.append(s1_h)
        q1s.append(q1_h)
    h1 = h1s[0] if len(h1s) == 1 else jnp.concatenate(h1s, axis=0)
    gxn8 = gxns[0] if len(gxns) == 1 else jnp.concatenate(gxns, axis=0)
    s1 = functools.reduce(jnp.add, s1s)
    q1 = functools.reduce(jnp.add, q1s)
    h2, s2, q2 = _run_mlp2(h1, s1, q1, g1.reshape(1, CIN), be1.reshape(1, CIN),
                           jnp.transpose(W2))
    h_flat, pool_t = _run_mlp3(h2, s2, q2, g2.reshape(1, COUT),
                               be2.reshape(1, COUT))
    pool = jnp.transpose(
        pool_t.reshape(B, TPB, COUT, SPT), (0, 2, 1, 3)).reshape(B, COUT, S)

    grouped_xyz_norm = jnp.transpose(
        gxn8.reshape(B, S, K, 8)[..., :3], (0, 3, 1, 2))
    h = h_flat.reshape(B, COUT, S, K)
    return (new_xyz_out, pool, grouped_xyz_norm, h)

# --- scband reference (transcript-rebuilt; emitter-appended) ---
"""Pipeline reference for scband-tdlayer-2396591751779 (READ-ONLY COPY).

The authoritative reference and input builder live on the scoring server;
editing this copy changes nothing except your own understanding.
"""

import jax, jax.numpy as jnp
import numpy as np

B = 8
N = 4096
NPOINT = 1024
K = 16
IN_DIM = 128
OUT_DIM = 256
EPS = 1e-5


def setup_inputs(seed: int = 0):
    key = jax.random.key(seed)
    ks = jax.random.split(key, 4)
    xyz = jax.random.normal(ks[0], (B, 3, N), dtype=jnp.float32)
    points = jax.random.normal(ks[1], (B, IN_DIM, N), dtype=jnp.float32)
    W1 = jax.random.normal(ks[2], (IN_DIM, IN_DIM + 3), dtype=jnp.float32) * (1.0 / np.sqrt(IN_DIM + 3))
    b1 = jnp.zeros((IN_DIM,), dtype=jnp.float32)
    g1 = jnp.ones((IN_DIM,), dtype=jnp.float32)
    be1 = jnp.zeros((IN_DIM,), dtype=jnp.float32)
    W2 = jax.random.normal(ks[3], (OUT_DIM, IN_DIM), dtype=jnp.float32) * (1.0 / np.sqrt(IN_DIM))
    b2 = jnp.zeros((OUT_DIM,), dtype=jnp.float32)
    g2 = jnp.ones((OUT_DIM,), dtype=jnp.float32)
    be2 = jnp.zeros((OUT_DIM,), dtype=jnp.float32)
    return {"xyz": xyz, "points": points, "W1": W1, "b1": b1, "g1": g1, "be1": be1, "W2": W2, "b2": b2, "g2": g2, "be2": be2}


def farthest_point_sample(xyz_pts, npoint):
    Bb, Nn, _ = xyz_pts.shape
    def body(i, state):
        dist, idxs, farthest = state
        idxs = idxs.at[:, i].set(farthest)
        centroid = jnp.take_along_axis(xyz_pts, farthest[:, None, None], axis=1)
        d = jnp.sum((xyz_pts - centroid) ** 2, axis=-1)
        dist = jnp.minimum(dist, d)
        farthest = jnp.argmax(dist, axis=-1).astype(jnp.int32)
        return (dist, idxs, farthest)
    dist0 = jnp.full((Bb, Nn), 1e10, dtype=jnp.float32)
    idxs0 = jnp.zeros((Bb, npoint), dtype=jnp.int32)
    far0 = jnp.zeros((Bb,), dtype=jnp.int32)
    _, idxs, _ = jax.lax.fori_loop(0, npoint, body, (dist0, idxs0, far0))
    return idxs


def bn_relu(x, gamma, beta):
    # training-mode BatchNorm2d over (B, S, K) per channel
    mean = jnp.mean(x, axis=(0, 2, 3), keepdims=True)
    var = jnp.var(x, axis=(0, 2, 3), keepdims=True)
    xn = (x - mean) / jnp.sqrt(var + EPS)
    return jax.nn.relu(xn * gamma[None, :, None, None] + beta[None, :, None, None])


def reference(xyz, points, W1, b1, g1, be1, W2, b2, g2, be2):
    xyz_pts = jnp.transpose(xyz, (0, 2, 1))  # [B, N, 3]
    # FPS sampling (indices are discrete, non-differentiable)
    fps_idx = farthest_point_sample(jax.lax.stop_gradient(xyz_pts), NPOINT)
    new_xyz = jnp.take_along_axis(xyz_pts, fps_idx[:, :, None], axis=1)  # [B, S, 3]
    # kNN: for each sampled centroid, k nearest among all N points
    d2 = jnp.sum((new_xyz[:, :, None, :] - xyz_pts[:, None, :, :]) ** 2, axis=-1)  # [B, S, N]
    _, knn_idx = jax.lax.top_k(-jax.lax.stop_gradient(d2), K)  # [B, S, K]
    idx_flat = knn_idx.reshape(B, NPOINT * K)
    grouped_xyz = jnp.take_along_axis(xyz_pts, idx_flat[:, :, None], axis=1).reshape(B, NPOINT, K, 3)
    grouped_xyz_norm = jnp.transpose(grouped_xyz - new_xyz[:, :, None, :], (0, 3, 1, 2))  # [B, 3, S, K]
    grouped_points = jnp.take_along_axis(points, idx_flat[:, None, :], axis=2).reshape(B, IN_DIM, NPOINT, K)
    new_points = jnp.concatenate([grouped_xyz_norm, grouped_points], axis=1)  # [B, 3+C, S, K]
    h = bn_relu(jnp.einsum('oc,bcsk->bosk', W1, new_points) + b1[None, :, None, None], g1, be1)
    h = bn_relu(jnp.einsum('oc,bcsk->bosk', W2, h) + b2[None, :, None, None], g2, be2)
    new_points_pooled = jnp.max(h, axis=3)  # [B, OUT_DIM, S]
    return (jnp.transpose(new_xyz, (0, 2, 1)), new_points_pooled, grouped_xyz_norm, h)

if __name__ == "__main__":
    import jax
    _d = setup_inputs()
    print(jax.jit(kernel)(*tuple(_d.values())))

</pallas_src>

<mosaic_0001>
#map = affine_map<(d0, d1) -> (0, 0)>
module attributes {stable_mosaic.version = 14 : i64} {
  func.func @_sc_gather_body(%arg0: i32, %arg1: i32, %arg2: memref<32768x144xf32, #tpu.memory_space<hbm>>, %arg3: memref<1024x128xi32, #tpu.memory_space<hbm>>, %arg4: memref<131072x144xf32, #tpu.memory_space<hbm>>, %arg5: memref<32x128xi32, #tpu.memory_space<vmem>>, %arg6: memref<128x144xf32, #tpu.memory_space<vmem>>, %arg7: memref<!tpu.dma_semaphore, #tpu.memory_space<semaphore_mem>>) attributes {dimension_semantics = [#tpu.dimension_semantics<core_parallel>, #tpu.dimension_semantics<subcore_parallel>], iteration_bounds = array<i64: 2, 16>, scalar_prefetch = 0 : i64, scratch_operands = 3 : i64, tpu.core_type = #tpu.core_type<sc_vector_subcore>, window_params = [{transform_indices = #map}, {transform_indices = #map}, {transform_indices = #map}]} {
    %mul3A = arith.constant 2 : i32
    %mul3A_0 = arith.muli %arg1, %mul3A : i32
    %add3A = arith.addi %mul3A_0, %arg0 : i32
    %mul3A_1 = arith.constant 4096 : i32
    %mul3A_2 = arith.muli %add3A, %mul3A_1 : i32
    %mul3A_3 = arith.constant 32 : i32
    %mul3A_4 = arith.muli %add3A, %mul3A_3 : i32
    "tpu.region"() ({
      %run_scoped3A = tpu.sem_alloc : memref<!tpu.dma_semaphore, #tpu.memory_space<semaphore_mem>>
      %dma_start3A = arith.constant 0 : i32
      %dma_start3A_11 = tpu.memref_slice %arg3[%mul3A_4, %dma_start3A] : memref<1024x128xi32, #tpu.memory_space<hbm>> -> memref<32x128xi32, #tpu.memory_space<hbm>>
      %dma_start3A_12 = arith.constant 0 : i32
      %dma_start3A_13 = tpu.memref_slice %arg3[%mul3A_4, %dma_start3A_12] : memref<1024x128xi32, #tpu.memory_space<hbm>> -> memref<32x128xi32, #tpu.memory_space<hbm>>
      tpu.enqueue_dma source(%dma_start3A_13 : memref<32x128xi32, #tpu.memory_space<hbm>>) target(%arg5 : memref<32x128xi32, #tpu.memory_space<vmem>>) target_semaphore(%run_scoped3A : memref<!tpu.dma_semaphore, #tpu.memory_space<semaphore_mem>>)
      %dma_wait3A = arith.constant 0 : i32
      %dma_wait3A_14 = tpu.memref_slice %arg3[%mul3A_4, %dma_wait3A] : memref<1024x128xi32, #tpu.memory_space<hbm>> -> memref<32x128xi32, #tpu.memory_space<hbm>>
      %dma_wait3A_15 = arith.constant 0 : i32
      %dma_wait3A_16 = tpu.memref_slice %arg3[%mul3A_4, %dma_wait3A_15] : memref<1024x128xi32, #tpu.memory_space<hbm>> -> memref<32x128xi32, #tpu.memory_space<hbm>>
      tpu.wait_dma2 semaphore(%run_scoped3A : memref<!tpu.dma_semaphore, #tpu.memory_space<semaphore_mem>>) src(%dma_wait3A_16 : memref<32x128xi32, #tpu.memory_space<hbm>>) dst(%arg5 : memref<32x128xi32, #tpu.memory_space<vmem>>)
      tpu.yield
    }) : () -> ()
    %scan3A = arith.constant 0 : i32
    %scan3A_5 = arith.constant 0 : i32
    %scan3A_6 = arith.constant 32 : i32
    %scan3A_7 = arith.addi %scan3A_5, %scan3A_6 : i32
    %scan3A_8 = arith.constant 1 : i32
    %scan3A_9 = scf.for %scan3A_11 = %scan3A_5 to %scan3A_7 step %scan3A_8 iter_args(%scan3A_12 = %scan3A) -> (i32)  : i32 {
      %dma_start3A = arith.constant 0 : i32
      %dma_start3A_13 = tpu.memref_slice %arg5[%scan3A_11, %dma_start3A] : memref<32x128xi32, #tpu.memory_space<vmem>> -> memref<1x128xi32, #tpu.memory_space<vmem>>
      %dma_start3A_14 = tpu.memref_squeeze %dma_start3A_13 : memref<1x128xi32, #tpu.memory_space<vmem>> -> memref<128xi32, #tpu.memory_space<vmem>>
      %dma_start3A_15 = arith.constant 0 : i32
      %dma_start3A_16 = arith.constant 0 : i32
      %dma_start3A_17 = tpu.memref_slice %arg2[%dma_start3A_15, %dma_start3A_16] : memref<32768x144xf32, #tpu.memory_space<hbm>> -> memref<32768x144xf32, #tpu.memory_space<hbm>>
      tpu.enqueue_indirect_dma source(%dma_start3A_17 : memref<32768x144xf32, #tpu.memory_space<hbm>>) target(%arg6 : memref<128x144xf32, #tpu.memory_space<vmem>>) offsets(%dma_start3A_14 : memref<128xi32, #tpu.memory_space<vmem>>) semaphore(%arg7 : memref<!tpu.dma_semaphore, #tpu.memory_space<semaphore_mem>>)
      %dma_wait3A = arith.constant 0 : i32
      %dma_wait3A_18 = tpu.memref_slice %arg5[%scan3A_11, %dma_wait3A] : memref<32x128xi32, #tpu.memory_space<vmem>> -> memref<1x128xi32, #tpu.memory_space<vmem>>
      %dma_wait3A_19 = tpu.memref_squeeze %dma_wait3A_18 : memref<1x128xi32, #tpu.memory_space<vmem>> -> memref<128xi32, #tpu.memory_space<vmem>>
      %dma_wait3A_20 = arith.constant 0 : i32
      %dma_wait3A_21 = arith.constant 0 : i32
      %dma_wait3A_22 = tpu.memref_slice %arg2[%dma_wait3A_20, %dma_wait3A_21] : memref<32768x144xf32, #tpu.memory_space<hbm>> -> memref<32768x144xf32, #tpu.memory_space<hbm>>
      tpu.wait_indirect_dma semaphore(%arg7 : memref<!tpu.dma_semaphore, #tpu.memory_space<semaphore_mem>>) src(%dma_wait3A_22 : memref<32768x144xf32, #tpu.memory_space<hbm>>) dst(%arg6 : memref<128x144xf32, #tpu.memory_space<vmem>>)
      %mul3A_23 = arith.constant 128 : i32
      %mul3A_24 = arith.muli %scan3A_11, %mul3A_23 : i32
      %add3A_25 = arith.addi %mul3A_2, %mul3A_24 : i32
      "tpu.region"() ({
        %run_scoped3A = tpu.sem_alloc : memref<!tpu.dma_semaphore, #tpu.memory_space<semaphore_mem>>
        %dma_start3A_27 = arith.constant 0 : i32
        %dma_start3A_28 = tpu.memref_slice %arg4[%add3A_25, %dma_start3A_27] : memref<131072x144xf32, #tpu.memory_space<hbm>> -> memref<128x144xf32, #tpu.memory_space<hbm>>
        %dma_start3A_29 = arith.constant 0 : i32
        %dma_start3A_30 = tpu.memref_slice %arg4[%add3A_25, %dma_start3A_29] : memref<131072x144xf32, #tpu.memory_space<hbm>> -> memref<128x144xf32, #tpu.memory_space<hbm>>
        tpu.enqueue_dma source(%arg6 : memref<128x144xf32, #tpu.memory_space<vmem>>) target(%dma_start3A_30 : memref<128x144xf32, #tpu.memory_space<hbm>>) target_semaphore(%run_scoped3A : memref<!tpu.dma_semaphore, #tpu.memory_space<semaphore_mem>>)
        %dma_wait3A_31 = arith.constant 0 : i32
        %dma_wait3A_32 = tpu.memref_slice %arg4[%add3A_25, %dma_wait3A_31] : memref<131072x144xf32, #tpu.memory_space<hbm>> -> memref<128x144xf32, #tpu.memory_space<hbm>>
        %dma_wait3A_33 = arith.constant 0 : i32
        %dma_wait3A_34 = tpu.memref_slice %arg4[%add3A_25, %dma_wait3A_33] : memref<131072x144xf32, #tpu.memory_space<hbm>> -> memref<128x144xf32, #tpu.memory_space<hbm>>
        tpu.wait_dma2 semaphore(%run_scoped3A : memref<!tpu.dma_semaphore, #tpu.memory_space<semaphore_mem>>) src(%arg6 : memref<128x144xf32, #tpu.memory_space<vmem>>) dst(%dma_wait3A_34 : memref<128x144xf32, #tpu.memory_space<hbm>>)
        tpu.yield
      }) : () -> ()
      %scan3A_26 = arith.constant 0 : i32
      scf.yield %scan3A_26 : i32
    }
    %scan3A_10 = arith.constant 32 : i32
    return
  }
}

module attributes {stable_mosaic.version = 14 : i64} {
  func.func @_fps_body(%arg0: memref<8x3x4096xf32, #tpu.memory_space<vmem>>, %arg1: memref<8x1024xf32, #tpu.memory_space<vmem>>, %arg2: memref<8x1024xf32, #tpu.memory_space<vmem>>, %arg3: memref<8x1024xf32, #tpu.memory_space<vmem>>) attributes {dimension_semantics = [], scalar_prefetch = 0 : i64, scratch_operands = 0 : i64, tpu.core_type = #tpu.core_type<tc>} {
    %get3A = arith.constant 0 : index
    %get3A_0 = arith.constant 0 : index
    %get3A_1 = arith.constant 0 : index
    %get3A_2 = vector.load %arg0[%get3A, %get3A_0, %get3A_1] : memref<8x3x4096xf32, #tpu.memory_space<vmem>>, vector<8x1x4096xf32>
    %get3A_3 = vector.shape_cast %get3A_2 : vector<8x1x4096xf32> to vector<8x4096xf32>
    %get3A_4 = arith.constant 0 : index
    %get3A_5 = arith.constant 1 : index
    %get3A_6 = arith.constant 0 : index
    %get3A_7 = vector.load %arg0[%get3A_4, %get3A_5, %get3A_6] : memref<8x3x4096xf32, #tpu.memory_space<vmem>>, vector<8x1x4096xf32>
    %get3A_8 = vector.shape_cast %get3A_7 : vector<8x1x4096xf32> to vector<8x4096xf32>
    %get3A_9 = arith.constant 0 : index
    %get3A_10 = arith.constant 2 : index
    %get3A_11 = arith.constant 0 : index
    %get3A_12 = vector.load %arg0[%get3A_9, %get3A_10, %get3A_11] : memref<8x3x4096xf32, #tpu.memory_space<vmem>>, vector<8x1x4096xf32>
    %get3A_13 = vector.shape_cast %get3A_12 : vector<8x1x4096xf32> to vector<8x4096xf32>
    %iota3A = tpu.iota {dimensions = array<i32: 1>} : vector<8x4096xi32>
    %iota3A_14 = tpu.iota {dimensions = array<i32: 1>} : vector<8x1024xi32>
    %broadcast_in_dim3A = arith.constant 1.000000e+10 : f32
    %broadcast_in_dim3A_15 = vector.broadcast %broadcast_in_dim3A : f32 to vector<8x4096xf32>
    %broadcast_in_dim3A_16 = arith.constant 0 : i32
    %broadcast_in_dim3A_17 = vector.broadcast %broadcast_in_dim3A_16 : i32 to vector<8x1xi32>
    %broadcast_in_dim3A_18 = arith.constant 0.000000e+00 : f32
    %broadcast_in_dim3A_19 = vector.broadcast %broadcast_in_dim3A_18 : f32 to vector<8x1024xf32>
    %scan3A = arith.constant 0 : i32
    %scan3A_20 = arith.constant 1024 : i32
    %scan3A_21 = arith.addi %scan3A, %scan3A_20 : i32
    %scan3A_22 = arith.constant 1 : i32
    %scan3A_23:5 = scf.for %scan3A_33 = %scan3A to %scan3A_21 step %scan3A_22 iter_args(%scan3A_34 = %broadcast_in_dim3A_15, %scan3A_35 = %broadcast_in_dim3A_17, %scan3A_36 = %broadcast_in_dim3A_19, %scan3A_37 = %broadcast_in_dim3A_19, %scan3A_38 = %broadcast_in_dim3A_19) -> (vector<8x4096xf32>, vector<8x1xi32>, vector<8x1024xf32>, vector<8x1024xf32>, vector<8x1024xf32>)  : i32 {
      %eq3A = vector.broadcast %scan3A_35 : vector<8x1xi32> to vector<8x4096xi32>
      %eq3A_39 = arith.cmpi eq, %iota3A, %eq3A : vector<8x4096xi32>
      %jit3A = arith.constant 0.000000e+00 : f32
      %broadcast_in_dim3A_40 = vector.broadcast %jit3A : f32 to vector<8x4096xf32>
      %select_n3A = arith.select %eq3A_39, %get3A_3, %broadcast_in_dim3A_40 : vector<8x4096xi1>, vector<8x4096xf32>
      %reduce_sum3A = arith.constant dense<0.000000e+00> : vector<8xf32>
      %reduce_sum3A_41 = vector.multi_reduction <add>, %select_n3A, %reduce_sum3A [1] : vector<8x4096xf32> to vector<8xf32>
      %broadcast_in_dim3A_42 = vector.shape_cast %reduce_sum3A_41 : vector<8xf32> to vector<8x1xf32>
      %jit3A_43 = arith.constant 0.000000e+00 : f32
      %broadcast_in_dim3A_44 = vector.broadcast %jit3A_43 : f32 to vector<8x4096xf32>
      %select_n3A_45 = arith.select %eq3A_39, %get3A_8, %broadcast_in_dim3A_44 : vector<8x4096xi1>, vector<8x4096xf32>
      %reduce_sum3A_46 = arith.constant dense<0.000000e+00> : vector<8xf32>
      %reduce_sum3A_47 = vector.multi_reduction <add>, %select_n3A_45, %reduce_sum3A_46 [1] : vector<8x4096xf32> to vector<8xf32>
      %broadcast_in_dim3A_48 = vector.shape_cast %reduce_sum3A_47 : vector<8xf32> to vector<8x1xf32>
      %jit3A_49 = arith.constant 0.000000e+00 : f32
      %broadcast_in_dim3A_50 = vector.broadcast %jit3A_49 : f32 to vector<8x4096xf32>
      %select_n3A_51 = arith.select %eq3A_39, %get3A_13, %broadcast_in_dim3A_50 : vector<8x4096xi1>, vector<8x4096xf32>
      %reduce_sum3A_52 = arith.constant dense<0.000000e+00> : vector<8xf32>
      %reduce_sum3A_53 = vector.multi_reduction <add>, %select_n3A_51, %reduce_sum3A_52 [1] : vector<8x4096xf32> to vector<8xf32>
      %broadcast_in_dim3A_54 = vector.shape_cast %reduce_sum3A_53 : vector<8xf32> to vector<8x1xf32>
      %eq3A_55 = vector.broadcast %scan3A_33 : i32 to vector<8x1024xi32>
      %eq3A_56 = arith.cmpi eq, %iota3A_14, %eq3A_55 : vector<8x1024xi32>
      %broadcast_in_dim3A_57 = vector.shape_cast %broadcast_in_dim3A_42 : vector<8x1xf32> to vector<8x1xf32>
      %broadcast_in_dim3A_58 = vector.broadcast %broadcast_in_dim3A_57 : vector<8x1xf32> to vector<8x1024xf32>
      %select_n3A_59 = arith.select %eq3A_56, %broadcast_in_dim3A_58, %scan3A_36 : vector<8x1024xi1>, vector<8x1024xf32>
      %broadcast_in_dim3A_60 = vector.shape_cast %broadcast_in_dim3A_48 : vector<8x1xf32> to vector<8x1xf32>
      %broadcast_in_dim3A_61 = vector.broadcast %broadcast_in_dim3A_60 : vector<8x1xf32> to vector<8x1024xf32>
      %select_n3A_62 = arith.select %eq3A_56, %broadcast_in_dim3A_61, %scan3A_37 : vector<8x1024xi1>, vector<8x1024xf32>
      %broadcast_in_dim3A_63 = vector.shape_cast %broadcast_in_dim3A_54 : vector<8x1xf32> to vector<8x1xf32>
      %broadcast_in_dim3A_64 = vector.broadcast %broadcast_in_dim3A_63 : vector<8x1xf32> to vector<8x1024xf32>
      %select_n3A_65 = arith.select %eq3A_56, %broadcast_in_dim3A_64, %scan3A_38 : vector<8x1024xi1>, vector<8x1024xf32>
      %sub3A = vector.broadcast %broadcast_in_dim3A_42 : vector<8x1xf32> to vector<8x4096xf32>
      %sub3A_66 = arith.subf %get3A_3, %sub3A : vector<8x4096xf32>
      %sub3A_67 = vector.broadcast %broadcast_in_dim3A_48 : vector<8x1xf32> to vector<8x4096xf32>
      %sub3A_68 = arith.subf %get3A_8, %sub3A_67 : vector<8x4096xf32>
      %sub3A_69 = vector.broadcast %broadcast_in_dim3A_54 : vector<8x1xf32> to vector<8x4096xf32>
      %sub3A_70 = arith.subf %get3A_13, %sub3A_69 : vector<8x4096xf32>
      %mul3A = arith.mulf %sub3A_66, %sub3A_66 : vector<8x4096xf32>
      %mul3A_71 = arith.mulf %sub3A_68, %sub3A_68 : vector<8x4096xf32>
      %add3A = arith.addf %mul3A, %mul3A_71 : vector<8x4096xf32>
      %mul3A_72 = arith.mulf %sub3A_70, %sub3A_70 : vector<8x4096xf32>
      %add3A_73 = arith.addf %add3A, %mul3A_72 : vector<8x4096xf32>
      %min3A = arith.minimumf %scan3A_34, %add3A_73 : vector<8x4096xf32>
      %reduce_max3A = arith.constant dense<0xFF800000> : vector<8xf32>
      %reduce_max3A_74 = vector.multi_reduction <maximumf>, %min3A, %reduce_max3A [1] : vector<8x4096xf32> to vector<8xf32>
      %broadcast_in_dim3A_75 = vector.shape_cast %reduce_max3A_74 : vector<8xf32> to vector<8x1xf32>
      %eq3A_76 = vector.broadcast %broadcast_in_dim3A_75 : vector<8x1xf32> to vector<8x4096xf32>
      %eq3A_77 = arith.cmpf oeq, %min3A, %eq3A_76 : vector<8x4096xf32>
      %jit3A_78 = arith.constant 4096 : i32
      %broadcast_in_dim3A_79 = vector.broadcast %jit3A_78 : i32 to vector<8x4096xi32>
      %select_n3A_80 = arith.select %eq3A_77, %iota3A, %broadcast_in_dim3A_79 : vector<8x4096xi1>, vector<8x4096xi32>
      %reduce_min3A = arith.constant dense<2147483647> : vector<8xi32>
      %reduce_min3A_81 = vector.multi_reduction <minsi>, %select_n3A_80, %reduce_min3A [1] : vector<8x4096xi32> to vector<8xi32>
      %broadcast_in_dim3A_82 = vector.shape_cast %reduce_min3A_81 : vector<8xi32> to vector<8x1xi32>
      scf.yield %min3A, %broadcast_in_dim3A_82, %select_n3A_59, %select_n3A_62, %select_n3A_65 : vector<8x4096xf32>, vector<8x1xi32>, vector<8x1024xf32>, vector<8x1024xf32>, vector<8x1024xf32>
    }
    %scan3A_24 = arith.constant 1024 : i32
    %swap3A = arith.constant 0 : index
    %swap3A_25 = arith.constant 0 : index
    %swap3A_26 = vector.load %arg1[%swap3A, %swap3A_25] : memref<8x1024xf32, #tpu.memory_space<vmem>>, vector<8x1024xf32>
    tpu.vector_store %arg1[%swap3A, %swap3A_25], %scan3A_23#2 {strides = array<i32>} : memref<8x1024xf32, #tpu.memory_space<vmem>>, vector<8x1024xf32>,
    %swap3A_27 = arith.constant 0 : index
    %swap3A_28 = arith.constant 0 : index
    %swap3A_29 = vector.load %arg2[%swap3A_27, %swap3A_28] : memref<8x1024xf32, #tpu.memory_space<vmem>>, vector<8x1024xf32>
    tpu.vector_store %arg2[%swap3A_27, %swap3A_28], %scan3A_23#3 {strides = array<i32>} : memref<8x1024xf32, #tpu.memory_space<vmem>>, vector<8x1024xf32>,
    %swap3A_30 = arith.constant 0 : index
    %swap3A_31 = arith.constant 0 : index
    %swap3A_32 = vector.load %arg3[%swap3A_30, %swap3A_31] : memref<8x1024xf32, #tpu.memory_space<vmem>>, vector<8x1024xf32>
    tpu.vector_store %arg3[%swap3A_30, %swap3A_31], %scan3A_23#4 {strides = array<i32>} : memref<8x1024xf32, #tpu.memory_space<vmem>>, vector<8x1024xf32>,
    return
  }
}

module attributes {stable_mosaic.version = 14 : i64} {
  func.func @_knn_body(%arg0: i32, %arg1: i32, %arg2: memref<1x3x4096xf32, #tpu.memory_space<vmem>>, %arg3: memref<1x256x3xf32, #tpu.memory_space<vmem>>, %arg4: memref<1x256x16xi32, #tpu.memory_space<vmem>>) attributes {dimension_semantics = [#tpu.dimension_semantics<arbitrary>, #tpu.dimension_semantics<arbitrary>], iteration_bounds = array<i64: 8, 4>, scalar_prefetch = 0 : i64, scratch_operands = 0 : i64, tpu.core_type = #tpu.core_type<tc>, window_params = [{transform_indices = @transform_0, window_bounds = array<i64: 1, 3, 4096>}, {transform_indices = @transform_1, window_bounds = array<i64: 1, 256, 3>}, {transform_indices = @transform_2, window_bounds = array<i64: 1, 256, 16>}]} {
    %add3A = arith.constant 0 : i32
    %add3A_0 = arith.addi %arg0, %add3A : i32
    %get3A = arith.constant 0 : index
    %get3A_1 = arith.constant 0 : index
    %get3A_2 = arith.constant 0 : index
    %get3A_3 = vector.load %arg2[%get3A, %get3A_1, %get3A_2] : memref<1x3x4096xf32, #tpu.memory_space<vmem>>, vector<1x1x4096xf32>
    %get3A_4 = vector.shape_cast %get3A_3 : vector<1x1x4096xf32> to vector<1x4096xf32>
    %get3A_5 = arith.constant 0 : index
    %get3A_6 = arith.constant 1 : index
    %get3A_7 = arith.constant 0 : index
    %get3A_8 = vector.load %arg2[%get3A_5, %get3A_6, %get3A_7] : memref<1x3x4096xf32, #tpu.memory_space<vmem>>, vector<1x1x4096xf32>
    %get3A_9 = vector.shape_cast %get3A_8 : vector<1x1x4096xf32> to vector<1x4096xf32>
    %get3A_10 = arith.constant 0 : index
    %get3A_11 = arith.constant 2 : index
    %get3A_12 = arith.constant 0 : index
    %get3A_13 = vector.load %arg2[%get3A_10, %get3A_11, %get3A_12] : memref<1x3x4096xf32, #tpu.memory_space<vmem>>, vector<1x1x4096xf32>
    %get3A_14 = vector.shape_cast %get3A_13 : vector<1x1x4096xf32> to vector<1x4096xf32>
    %get3A_15 = arith.constant 0 : index
    %get3A_16 = arith.constant 0 : index
    %get3A_17 = arith.constant 0 : index
    %get3A_18 = vector.load %arg3[%get3A_15, %get3A_16, %get3A_17] : memref<1x256x3xf32, #tpu.memory_space<vmem>>, vector<1x256x3xf32>
    %get3A_19 = vector.shape_cast %get3A_18 : vector<1x256x3xf32> to vector<256x3xf32>
    %slice3A = vector.extract_strided_slice %get3A_19 {offsets = [0, 0], sizes = [256, 1], strides = [1, 1]} : vector<256x3xf32> to vector<256x1xf32>
    %slice3A_20 = vector.extract_strided_slice %get3A_19 {offsets = [0, 1], sizes = [256, 1], strides = [1, 1]} : vector<256x3xf32> to vector<256x1xf32>
    %slice3A_21 = vector.extract_strided_slice %get3A_19 {offsets = [0, 2], sizes = [256, 1], strides = [1, 1]} : vector<256x3xf32> to vector<256x1xf32>
    %sub3A = vector.broadcast %slice3A : vector<256x1xf32> to vector<256x4096xf32>
    %sub3A_22 = vector.broadcast %get3A_4 : vector<1x4096xf32> to vector<256x4096xf32>
    %sub3A_23 = arith.subf %sub3A, %sub3A_22 : vector<256x4096xf32>
    %sub3A_24 = vector.broadcast %slice3A_20 : vector<256x1xf32> to vector<256x4096xf32>
    %sub3A_25 = vector.broadcast %get3A_9 : vector<1x4096xf32> to vector<256x4096xf32>
    %sub3A_26 = arith.subf %sub3A_24, %sub3A_25 : vector<256x4096xf32>
    %sub3A_27 = vector.broadcast %slice3A_21 : vector<256x1xf32> to vector<256x4096xf32>
    %sub3A_28 = vector.broadcast %get3A_14 : vector<1x4096xf32> to vector<256x4096xf32>
    %sub3A_29 = arith.subf %sub3A_27, %sub3A_28 : vector<256x4096xf32>
    %mul3A = arith.mulf %sub3A_23, %sub3A_23 : vector<256x4096xf32>
    %mul3A_30 = arith.mulf %sub3A_26, %sub3A_26 : vector<256x4096xf32>
    %add3A_31 = arith.addf %mul3A, %mul3A_30 : vector<256x4096xf32>
    %mul3A_32 = arith.mulf %sub3A_29, %sub3A_29 : vector<256x4096xf32>
    %add3A_33 = arith.addf %add3A_31, %mul3A_32 : vector<256x4096xf32>
    %mul3A_34 = arith.constant 4096 : i32
    %mul3A_35 = arith.muli %add3A_0, %mul3A_34 : i32
    %iota3A = tpu.iota {dimensions = array<i32: 1>} : vector<256x2048xi32>
    %slice3A_36 = vector.extract_strided_slice %add3A_33 {offsets = [0, 0], sizes = [256, 2048], strides = [1, 1]} : vector<256x4096xf32> to vector<256x2048xf32>
    %slice3A_37 = vector.extract_strided_slice %add3A_33 {offsets = [0, 2048], sizes = [256, 2048], strides = [1, 1]} : vector<256x4096xf32> to vector<256x2048xf32>
    %le3A = arith.cmpf ole, %slice3A_36, %slice3A_37 : vector<256x2048xf32>
    %select_n3A = arith.select %le3A, %slice3A_36, %slice3A_37 : vector<256x2048xi1>, vector<256x2048xf32>
    %add3A_38 = arith.constant 2048 : i32
    %add3A_39 = vector.broadcast %add3A_38 : i32 to vector<256x2048xi32>
    %add3A_40 = arith.addi %iota3A, %add3A_39 : vector<256x2048xi32>
    %select_n3A_41 = arith.select %le3A, %iota3A, %add3A_40 : vector<256x2048xi1>, vector<256x2048xi32>
    %select_n3A_42 = arith.select %le3A, %slice3A_37, %slice3A_36 : vector<256x2048xi1>, vector<256x2048xf32>
    %add3A_43 = arith.constant 2048 : i32
    %add3A_44 = vector.broadcast %add3A_43 : i32 to vector<256x2048xi32>
    %add3A_45 = arith.addi %iota3A, %add3A_44 : vector<256x2048xi32>
    %select_n3A_46 = arith.select %le3A, %add3A_45, %iota3A : vector<256x2048xi1>, vector<256x2048xi32>
    %reduce_min3A = arith.constant dense<0x7F800000> : vector<256xf32>
    %reduce_min3A_47 = vector.multi_reduction <minimumf>, %select_n3A, %reduce_min3A [1] : vector<256x2048xf32> to vector<256xf32>
    %broadcast_in_dim3A = vector.shape_cast %reduce_min3A_47 : vector<256xf32> to vector<256x1xf32>
    %eq3A = vector.broadcast %broadcast_in_dim3A : vector<256x1xf32> to vector<256x2048xf32>
    %eq3A_48 = arith.cmpf oeq, %select_n3A, %eq3A : vector<256x2048xf32>
    %jit3A = arith.constant 4096 : i32
    %broadcast_in_dim3A_49 = vector.broadcast %jit3A : i32 to vector<256x2048xi32>
    %select_n3A_50 = arith.select %eq3A_48, %select_n3A_41, %broadcast_in_dim3A_49 : vector<256x2048xi1>, vector<256x2048xi32>
    %reduce_min3A_51 = arith.constant dense<2147483647> : vector<256xi32>
    %reduce_min3A_52 = vector.multi_reduction <minsi>, %select_n3A_50, %reduce_min3A_51 [1] : vector<256x2048xi32> to vector<256xi32>
    %broadcast_in_dim3A_53 = vector.shape_cast %reduce_min3A_52 : vector<256xi32> to vector<256x1xi32>
    %squeeze3A = vector.shape_cast %broadcast_in_dim3A_53 : vector<256x1xi32> to vector<256xi32>
    %add3A_54 = vector.broadcast %mul3A_35 : i32 to vector<256xi32>
    %add3A_55 = arith.addi %squeeze3A, %add3A_54 : vector<256xi32>
    %swap3A = arith.constant 0 : index
    %swap3A_56 = arith.constant 0 : index
    %swap3A_57 = arith.constant 0 : index
    %swap3A_58 = vector.load %arg4[%swap3A, %swap3A_56, %swap3A_57] : memref<1x256x16xi32, #tpu.memory_space<vmem>>, vector<1x256x1xi32>
    %swap3A_59 = vector.shape_cast %swap3A_58 : vector<1x256x1xi32> to vector<256xi32>
    %swap3A_60 = vector.shape_cast %add3A_55 : vector<256xi32> to vector<1x256x1xi32>
    tpu.vector_store %arg4[%swap3A, %swap3A_56, %swap3A_57], %swap3A_60 {strides = array<i32>} : memref<1x256x16xi32, #tpu.memory_space<vmem>>, vector<1x256x1xi32>,
    %eq3A_61 = vector.broadcast %broadcast_in_dim3A_53 : vector<256x1xi32> to vector<256x2048xi32>
    %eq3A_62 = arith.cmpi eq, %select_n3A_41, %eq3A_61 : vector<256x2048xi32>
    %select_n3A_63 = arith.select %eq3A_62, %select_n3A_42, %select_n3A : vector<256x2048xi1>, vector<256x2048xf32>
    %select_n3A_64 = arith.select %eq3A_62, %select_n3A_46, %select_n3A_41 : vector<256x2048xi1>, vector<256x2048xi32>
    %jit3A_65 = arith.constant 3.000000e+38 : f32
    %broadcast_in_dim3A_66 = vector.broadcast %jit3A_65 : f32 to vector<256x2048xf32>
    %select_n3A_67 = arith.select %eq3A_62, %broadcast_in_dim3A_66, %select_n3A_42 : vector<256x2048xi1>, vector<256x2048xf32>
    %reduce_min3A_68 = arith.constant dense<0x7F800000> : vector<256xf32>
    %reduce_min3A_69 = vector.multi_reduction <minimumf>, %select_n3A_63, %reduce_min3A_68 [1] : vector<256x2048xf32> to vector<256xf32>
    %broadcast_in_dim3A_70 = vector.shape_cast %reduce_min3A_69 : vector<256xf32> to vector<256x1xf32>
    %eq3A_71 = vector.broadcast %broadcast_in_dim3A_70 : vector<256x1xf32> to vector<256x2048xf32>
    %eq3A_72 = arith.cmpf oeq, %select_n3A_63, %eq3A_71 : vector<256x2048xf32>
    %jit3A_73 = arith.constant 4096 : i32
    %broadcast_in_dim3A_74 = vector.broadcast %jit3A_73 : i32 to vector<256x2048xi32>
    %select_n3A_75 = arith.select %eq3A_72, %select_n3A_64, %broadcast_in_dim3A_74 : vector<256x2048xi1>, vector<256x2048xi32>
    %reduce_min3A_76 = arith.constant dense<2147483647> : vector<256xi32>
    %reduce_min3A_77 = vector.multi_reduction <minsi>, %select_n3A_75, %reduce_min3A_76 [1] : vector<256x2048xi32> to vector<256xi32>
    %broadcast_in_dim3A_78 = vector.shape_cast %reduce_min3A_77 : vector<256xi32> to vector<256x1xi32>
    %squeeze3A_79 = vector.shape_cast %broadcast_in_dim3A_78 : vector<256x1xi32> to vector<256xi32>
    %add3A_80 = vector.broadcast %mul3A_35 : i32 to vector<256xi32>
    %add3A_81 = arith.addi %squeeze3A_79, %add3A_80 : vector<256xi32>
    %swap3A_82 = arith.constant 0 : index
    %swap3A_83 = arith.constant 0 : index
    %swap3A_84 = arith.constant 1 : index
    %swap3A_85 = vector.load %arg4[%swap3A_82, %swap3A_83, %swap3A_84] : memref<1x256x16xi32, #tpu.memory_space<vmem>>, vector<1x256x1xi32>
    %swap3A_86 = vector.shape_cast %swap3A_85 : vector<1x256x1xi32> to vector<256xi32>
    %swap3A_87 = vector.shape_cast %add3A_81 : vector<256xi32> to vector<1x256x1xi32>
    tpu.vector_store %arg4[%swap3A_82, %swap3A_83, %swap3A_84], %swap3A_87 {strides = array<i32>} : memref<1x256x16xi32, #tpu.memory_space<vmem>>, vector<1x256x1xi32>,
    %eq3A_88 = vector.broadcast %broadcast_in_dim3A_78 : vector<256x1xi32> to vector<256x2048xi32>
    %eq3A_89 = arith.cmpi eq, %select_n3A_64, %eq3A_88 : vector<256x2048xi32>
    %select_n3A_90 = arith.select %eq3A_89, %select_n3A_67, %select_n3A_63 : vector<256x2048xi1>, vector<256x2048xf32>
    %select_n3A_91 = arith.select %eq3A_89, %select_n3A_46, %select_n3A_64 : vector<256x2048xi1>, vector<256x2048xi32>
    %jit3A_92 = arith.constant 3.000000e+38 : f32
    %broadcast_in_dim3A_93 = vector.broadcast %jit3A_92 : f32 to vector<256x2048xf32>
    %select_n3A_94 = arith.select %eq3A_89, %broadcast_in_dim3A_93, %select_n3A_67 : vector<256x2048xi1>, vector<256x2048xf32>
    %reduce_min3A_95 = arith.constant dense<0x7F800000> : vector<256xf32>
    %reduce_min3A_96 = vector.multi_reduction <minimumf>, %select_n3A_90, %reduce_min3A_95 [1] : vector<256x2048xf32> to vector<256xf32>
    %broadcast_in_dim3A_97 = vector.shape_cast %reduce_min3A_96 : vector<256xf32> to vector<256x1xf32>
    %eq3A_98 = vector.broadcast %broadcast_in_dim3A_97 : vector<256x1xf32> to vector<256x2048xf32>
    %eq3A_99 = arith.cmpf oeq, %select_n3A_90, %eq3A_98 : vector<256x2048xf32>
    %jit3A_100 = arith.constant 4096 : i32
    %broadcast_in_dim3A_101 = vector.broadcast %jit3A_100 : i32 to vector<256x2048xi32>
    %select_n3A_102 = arith.select %eq3A_99, %select_n3A_91, %broadcast_in_dim3A_101 : vector<256x2048xi1>, vector<256x2048xi32>
    %reduce_min3A_103 = arith.constant dense<2147483647> : vector<256xi32>
    %reduce_min3A_104 = vector.multi_reduction <minsi>, %select_n3A_102, %reduce_min3A_103 [1] : vector<256x2048xi32> to vector<256xi32>
    %broadcast_in_dim3A_105 = vector.shape_cast %reduce_min3A_104 : vector<256xi32> to vector<256x1xi32>
    %squeeze3A_106 = vector.shape_cast %broadcast_in_dim3A_105 : vector<256x1xi32> to vector<256xi32>
    %add3A_107 = vector.broadcast %mul3A_35 : i32 to vector<256xi32>
    %add3A_108 = arith.addi %squeeze3A_106, %add3A_107 : vector<256xi32>
    %swap3A_109 = arith.constant 0 : index
    %swap3A_110 = arith.constant 0 : index
    %swap3A_111 = arith.constant 2 : index
    %swap3A_112 = vector.load %arg4[%swap3A_109, %swap3A_110, %swap3A_111] : memref<1x256x16xi32, #tpu.memory_space<vmem>>, vector<1x256x1xi32>
    %swap3A_113 = vector.shape_cast %swap3A_112 : vector<1x256x1xi32> to vector<256xi32>
    %swap3A_114 = vector.shape_cast %add3A_108 : vector<256xi32> to vector<1x256x1xi32>
    tpu.vector_store %arg4[%swap3A_109, %swap3A_110, %swap3A_111], %swap3A_114 {strides = array<i32>} : memref<1x256x16xi32, #tpu.memory_space<vmem>>, vector<1x256x1xi32>,
    %eq3A_115 = vector.broadcast %broadcast_in_dim3A_105 : vector<256x1xi32> to vector<256x2048xi32>
    %eq3A_116 = arith.cmpi eq, %select_n3A_91, %eq3A_115 : vector<256x2048xi32>
    %select_n3A_117 = arith.select %eq3A_116, %select_n3A_94, %select_n3A_90 : vector<256x2048xi1>, vector<256x2048xf32>
    %select_n3A_118 = arith.select %eq3A_116, %select_n3A_46, %select_n3A_91 : vector<256x2048xi1>, vector<256x2048xi32>
    %jit3A_119 = arith.constant 3.000000e+38 : f32
    %broadcast_in_dim3A_120 = vector.broadcast %jit3A_119 : f32 to vector<256x2048xf32>
    %select_n3A_121 = arith.select %eq3A_116, %broadcast_in_dim3A_120, %select_n3A_94 : vector<256x2048xi1>, vector<256x2048xf32>
    %reduce_min3A_122 = arith.constant dense<0x7F800000> : vector<256xf32>
    %reduce_min3A_123 = vector.multi_reduction <minimumf>, %select_n3A_117, %reduce_min3A_122 [1] : vector<256x2048xf32> to vector<256xf32>
    %broadcast_in_dim3A_124 = vector.shape_cast %reduce_min3A_123 : vector<256xf32> to vector<256x1xf32>
    %eq3A_125 = vector.broadcast %broadcast_in_dim3A_124 : vector<256x1xf32> to vector<256x2048xf32>
    %eq3A_126 = arith.cmpf oeq, %select_n3A_117, %eq3A_125 : vector<256x2048xf32>
    %jit3A_127 = arith.constant 4096 : i32
    %broadcast_in_dim3A_128 = vector.broadcast %jit3A_127 : i32 to vector<256x2048xi32>
    %select_n3A_129 = arith.select %eq3A_126, %select_n3A_118, %broadcast_in_dim3A_128 : vector<256x2048xi1>, vector<256x2048xi32>
    %reduce_min3A_130 = arith.constant dense<2147483647> : vector<256xi32>
    %reduce_min3A_131 = vector.multi_reduction <minsi>, %select_n3A_129, %reduce_min3A_130 [1] : vector<256x2048xi32> to vector<256xi32>
    %broadcast_in_dim3A_132 = vector.shape_cast %reduce_min3A_131 : vector<256xi32> to vector<256x1xi32>
    %squeeze3A_133 = vector.shape_cast %broadcast_in_dim3A_132 : vector<256x1xi32> to vector<256xi32>
    %add3A_134 = vector.broadcast %mul3A_35 : i32 to vector<256xi32>
    %add3A_135 = arith.addi %squeeze3A_133, %add3A_134 : vector<256xi32>
    %swap3A_136 = arith.constant 0 : index
    %swap3A_137 = arith.constant 0 : index
    %swap3A_138 = arith.constant 3 : index
    %swap3A_139 = vector.load %arg4[%swap3A_136, %swap3A_137, %swap3A_138] : memref<1x256x16xi32, #tpu.memory_space<vmem>>, vector<1x256x1xi32>
    %swap3A_140 = vector.shape_cast %swap3A_139 : vector<1x256x1xi32> to vector<256xi32>
    %swap3A_141 = vector.shape_cast %add3A_135 : vector<256xi32> to vector<1x256x1xi32>
    tpu.vector_store %arg4[%swap3A_136, %swap3A_137, %swap3A_138], %swap3A_141 {strides = array<i32>} : memref<1x256x16xi32, #tpu.memory_space<vmem>>, vector<1x256x1xi32>,
    %eq3A_142 = vector.broadcast %broadcast_in_dim3A_132 : vector<256x1xi32> to vector<256x2048xi32>
    %eq3A_143 = arith.cmpi eq, %select_n3A_118, %eq3A_142 : vector<256x2048xi32>
    %select_n3A_144 = arith.select %eq3A_143, %select_n3A_121, %select_n3A_117 : vector<256x2048xi1>, vector<256x2048xf32>
    %select_n3A_145 = arith.select %eq3A_143, %select_n3A_46, %select_n3A_118 : vector<256x2048xi1>, vector<256x2048xi32>
    %jit3A_146 = arith.constant 3.000000e+38 : f32
    %broadcast_in_dim3A_147 = vector.broadcast %jit3A_146 : f32 to vector<256x2048xf32>
    %select_n3A_148 = arith.select %eq3A_143, %broadcast_in_dim3A_147, %select_n3A_121 : vector<256x2048xi1>, vector<256x2048xf32>
    %reduce_min3A_149 = arith.constant dense<0x7F800000> : vector<256xf32>
    %reduce_min3A_150 = vector.multi_reduction <minimumf>, %select_n3A_144, %reduce_min3A_149 [1] : vector<256x2048xf32> to vector<256xf32>
    %broadcast_in_dim3A_151 = vector.shape_cast %reduce_min3A_150 : vector<256xf32> to vector<256x1xf32>
    %eq3A_152 = vector.broadcast %broadcast_in_dim3A_151 : vector<256x1xf32> to vector<256x2048xf32>
    %eq3A_153 = arith.cmpf oeq, %select_n3A_144, %eq3A_152 : vector<256x2048xf32>
    %jit3A_154 = arith.constant 4096 : i32
    %broadcast_in_dim3A_155 = vector.broadcast %jit3A_154 : i32 to vector<256x2048xi32>
    %select_n3A_156 = arith.select %eq3A_153, %select_n3A_145, %broadcast_in_dim3A_155 : vector<256x2048xi1>, vector<256x2048xi32>
    %reduce_min3A_157 = arith.constant dense<2147483647> : vector<256xi32>
    %reduce_min3A_158 = vector.multi_reduction <minsi>, %select_n3A_156, %reduce_min3A_157 [1] : vector<256x2048xi32> to vector<256xi32>
    %broadcast_in_dim3A_159 = vector.shape_cast %reduce_min3A_158 : vector<256xi32> to vector<256x1xi32>
    %squeeze3A_160 = vector.shape_cast %broadcast_in_dim3A_159 : vector<256x1xi32> to vector<256xi32>
    %add3A_161 = vector.broadcast %mul3A_35 : i32 to vector<256xi32>
    %add3A_162 = arith.addi %squeeze3A_160, %add3A_161 : vector<256xi32>
    %swap3A_163 = arith.constant 0 : index
    %swap3A_164 = arith.constant 0 : index
    %swap3A_165 = arith.constant 4 : index
    %swap3A_166 = vector.load %arg4[%swap3A_163, %swap3A_164, %swap3A_165] : memref<1x256x16xi32, #tpu.memory_space<vmem>>, vector<1x256x1xi32>
    %swap3A_167 = vector.shape_cast %swap3A_166 : vector<1x256x1xi32> to vector<256xi32>
    %swap3A_168 = vector.shape_cast %add3A_162 : vector<256xi32> to vector<1x256x1xi32>
    tpu.vector_store %arg4[%swap3A_163, %swap3A_164, %swap3A_165], %swap3A_168 {strides = array<i32>} : memref<1x256x16xi32, #tpu.memory_space<vmem>>, vector<1x256x1xi32>,
    %eq3A_169 = vector.broadcast %broadcast_in_dim3A_159 : vector<256x1xi32> to vector<256x2048xi32>
    %eq3A_170 = arith.cmpi eq, %select_n3A_145, %eq3A_169 : vector<256x2048xi32>
    %select_n3A_171 = arith.select %eq3A_170, %select_n3A_148, %select_n3A_144 : vector<256x2048xi1>, vector<256x2048xf32>
    %select_n3A_172 = arith.select %eq3A_170, %select_n3A_46, %select_n3A_145 : vector<256x2048xi1>, vector<256x2048xi32>
    %jit3A_173 = arith.constant 3.000000e+38 : f32
    %broadcast_in_dim3A_174 = vector.broadcast %jit3A_173 : f32 to vector<256x2048xf32>
    %select_n3A_175 = arith.select %eq3A_170, %broadcast_in_dim3A_174, %select_n3A_148 : vector<256x2048xi1>, vector<256x2048xf32>
    %reduce_min3A_176 = arith.constant dense<0x7F800000> : vector<256xf32>
    %reduce_min3A_177 = vector.multi_reduction <minimumf>, %select_n3A_171, %reduce_min3A_176 [1] : vector<256x2048xf32> to vector<256xf32>
    %broadcast_in_dim3A_178 = vector.shape_cast %reduce_min3A_177 : vector<256xf32> to vector<256x1xf32>
    %eq3A_179 = vector.broadcast %broadcast_in_dim3A_178 : vector<256x1xf32> to vector<256x2048xf32>
    %eq3A_180 = arith.cmpf oeq, %select_n3A_171, %eq3A_179 : vector<256x2048xf32>
    %jit3A_181 = arith.constant 4096 : i32
    %broadcast_in_dim3A_182 = vector.broadcast %jit3A_181 : i32 to vector<256x2048xi32>
    %select_n3A_183 = arith.select %eq3A_180, %select_n3A_172, %broadcast_in_dim3A_182 : vector<256x2048xi1>, vector<256x2048xi32>
    %reduce_min3A_184 = arith.constant dense<2147483647> : vector<256xi32>
    %reduce_min3A_185 = vector.multi_reduction <minsi>, %select_n3A_183, %reduce_min3A_184 [1] : vector<256x2048xi32> to vector<256xi32>
    %broadcast_in_dim3A_186 = vector.shape_cast %reduce_min3A_185 : vector<256xi32> to vector<256x1xi32>
    %squeeze3A_187 = vector.shape_cast %broadcast_in_dim3A_186 : vector<256x1xi32> to vector<256xi32>
    %add3A_188 = vector.broadcast %mul3A_35 : i32 to vector<256xi32>
    %add3A_189 = arith.addi %squeeze3A_187, %add3A_188 : vector<256xi32>
    %swap3A_190 = arith.constant 0 : index
    %swap3A_191 = arith.constant 0 : index
    %swap3A_192 = arith.constant 5 : index
    %swap3A_193 = vector.load %arg4[%swap3A_190, %swap3A_191, %swap3A_192] : memref<1x256x16xi32, #tpu.memory_space<vmem>>, vector<1x256x1xi32>
    %swap3A_194 = vector.shape_cast %swap3A_193 : vector<1x256x1xi32> to vector<256xi32>
    %swap3A_195 = vector.shape_cast %add3A_189 : vector<256xi32> to vector<1x256x1xi32>
    tpu.vector_store %arg4[%swap3A_190, %swap3A_191, %swap3A_192], %swap3A_195 {strides = array<i32>} : memref<1x256x16xi32, #tpu.memory_space<vmem>>, vector<1x256x1xi32>,
    %eq3A_196 = vector.broadcast %broadcast_in_dim3A_186 : vector<256x1xi32> to vector<256x2048xi32>
    %eq3A_197 = arith.cmpi eq, %select_n3A_172, %eq3A_196 : vector<256x2048xi32>
    %select_n3A_198 = arith.select %eq3A_197, %select_n3A_175, %select_n3A_171 : vector<256x2048xi1>, vector<256x2048xf32>
    %select_n3A_199 = arith.select %eq3A_197, %select_n3A_46, %select_n3A_172 : vector<256x2048xi1>, vector<256x2048xi32>
    %jit3A_200 = arith.constant 3.000000e+38 : f32
    %broadcast_in_dim3A_201 = vector.broadcast %jit3A_200 : f32 to vector<256x2048xf32>
    %select_n3A_202 = arith.select %eq3A_197, %broadcast_in_dim3A_201, %select_n3A_175 : vector<256x2048xi1>, vector<256x2048xf32>
    %reduce_min3A_203 = arith.constant dense<0x7F800000> : vector<256xf32>
    %reduce_min3A_204 = vector.multi_reduction <minimumf>, %select_n3A_198, %reduce_min3A_203 [1] : vector<256x2048xf32> to vector<256xf32>
    %broadcast_in_dim3A_205 = vector.shape_cast %reduce_min3A_204 : vector<256xf32> to vector<256x1xf32>
    %eq3A_206 = vector.broadcast %broadcast_in_dim3A_205 : vector<256x1xf32> to vector<256x2048xf32>
    %eq3A_207 = arith.cmpf oeq, %select_n3A_198, %eq3A_206 : vector<256x2048xf32>
    %jit3A_208 = arith.constant 4096 : i32
    %broadcast_in_dim3A_209 = vector.broadcast %jit3A_208 : i32 to vector<256x2048xi32>
    %select_n3A_210 = arith.select %eq3A_207, %select_n3A_199, %broadcast_in_dim3A_209 : vector<256x2048xi1>, vector<256x2048xi32>
    %reduce_min3A_211 = arith.constant dense<2147483647> : vector<256xi32>
    %reduce_min3A_212 = vector.multi_reduction <minsi>, %select_n3A_210, %reduce_min3A_211 [1] : vector<256x2048xi32> to vector<256xi32>
    %broadcast_in_dim3A_213 = vector.shape_cast %reduce_min3A_212 : vector<256xi32> to vector<256x1xi32>
    %squeeze3A_214 = vector.shape_cast %broadcast_in_dim3A_213 : vector<256x1xi32> to vector<256xi32>
    %add3A_215 = vector.broadcast %mul3A_35 : i32 to vector<256xi32>
    %add3A_216 = arith.addi %squeeze3A_214, %add3A_215 : vector<256xi32>
    %swap3A_217 = arith.constant 0 : index
    %swap3A_218 = arith.constant 0 : index
    %swap3A_219 = arith.constant 6 : index
    %swap3A_220 = vector.load %arg4[%swap3A_217, %swap3A_218, %swap3A_219] : memref<1x256x16xi32, #tpu.memory_space<vmem>>, vector<1x256x1xi32>
    %swap3A_221 = vector.shape_cast %swap3A_220 : vector<1x256x1xi32> to vector<256xi32>
    %swap3A_222 = vector.shape_cast %add3A_216 : vector<256xi32> to vector<1x256x1xi32>
    tpu.vector_store %arg4[%swap3A_217, %swap3A_218, %swap3A_219], %swap3A_222 {strides = array<i32>} : memref<1x256x16xi32, #tpu.memory_space<vmem>>, vector<1x256x1xi32>,
    %eq3A_223 = vector.broadcast %broadcast_in_dim3A_213 : vector<256x1xi32> to vector<256x2048xi32>
    %eq3A_224 = arith.cmpi eq, %select_n3A_199, %eq3A_223 : vector<256x2048xi32>
    %select_n3A_225 = arith.select %eq3A_224, %select_n3A_202, %select_n3A_198 : vector<256x2048xi1>, vector<256x2048xf32>
    %select_n3A_226 = arith.select %eq3A_224, %select_n3A_46, %select_n3A_199 : vector<256x2048xi1>, vector<256x2048xi32>
    %jit3A_227 = arith.constant 3.000000e+38 : f32
    %broadcast_in_dim3A_228 = vector.broadcast %jit3A_227 : f32 to vector<256x2048xf32>
    %select_n3A_229 = arith.select %eq3A_224, %broadcast_in_dim3A_228, %select_n3A_202 : vector<256x2048xi1>, vector<256x2048xf32>
    %reduce_min3A_230 = arith.constant dense<0x7F800000> : vector<256xf32>
    %reduce_min3A_231 = vector.multi_reduction <minimumf>, %select_n3A_225, %reduce_min3A_230 [1] : vector<256x2048xf32> to vector<256xf32>
    %broadcast_in_dim3A_232 = vector.shape_cast %reduce_min3A_231 : vector<256xf32> to vector<256x1xf32>
    %eq3A_233 = vector.broadcast %broadcast_in_dim3A_232 : vector<256x1xf32> to vector<256x2048xf32>
    %eq3A_234 = arith.cmpf oeq, %select_n3A_225, %eq3A_233 : vector<256x2048xf32>
    %jit3A_235 = arith.constant 4096 : i32
    %broadcast_in_dim3A_236 = vector.broadcast %jit3A_235 : i32 to vector<256x2048xi32>
    %select_n3A_237 = arith.select %eq3A_234, %select_n3A_226, %broadcast_in_dim3A_236 : vector<256x2048xi1>, vector<256x2048xi32>
    %reduce_min3A_238 = arith.constant dense<2147483647> : vector<256xi32>
    %reduce_min3A_239 = vector.multi_reduction <minsi>, %select_n3A_237, %reduce_min3A_238 [1] : vector<256x2048xi32> to vector<256xi32>
    %broadcast_in_dim3A_240 = vector.shape_cast %reduce_min3A_239 : vector<256xi32> to vector<256x1xi32>
    %squeeze3A_241 = vector.shape_cast %broadcast_in_dim3A_240 : vector<256x1xi32> to vector<256xi32>
    %add3A_242 = vector.broadcast %mul3A_35 : i32 to vector<256xi32>
    %add3A_243 = arith.addi %squeeze3A_241, %add3A_242 : vector<256xi32>
    %swap3A_244 = arith.constant 0 : index
    %swap3A_245 = arith.constant 0 : index
    %swap3A_246 = arith.constant 7 : index
    %swap3A_247 = vector.load %arg4[%swap3A_244, %swap3A_245, %swap3A_246] : memref<1x256x16xi32, #tpu.memory_space<vmem>>, vector<1x256x1xi32>
    %swap3A_248 = vector.shape_cast %swap3A_247 : vector<1x256x1xi32> to vector<256xi32>
    %swap3A_249 = vector.shape_cast %add3A_243 : vector<256xi32> to vector<1x256x1xi32>
    tpu.vector_store %arg4[%swap3A_244, %swap3A_245, %swap3A_246], %swap3A_249 {strides = array<i32>} : memref<1x256x16xi32, #tpu.memory_space<vmem>>, vector<1x256x1xi32>,
    %eq3A_250 = vector.broadcast %broadcast_in_dim3A_240 : vector<256x1xi32> to vector<256x2048xi32>
    %eq3A_251 = arith.cmpi eq, %select_n3A_226, %eq3A_250 : vector<256x2048xi32>
    %select_n3A_252 = arith.select %eq3A_251, %select_n3A_229, %select_n3A_225 : vector<256x2048xi1>, vector<256x2048xf32>
    %select_n3A_253 = arith.select %eq3A_251, %select_n3A_46, %select_n3A_226 : vector<256x2048xi1>, vector<256x2048xi32>
    %jit3A_254 = arith.constant 3.000000e+38 : f32
    %broadcast_in_dim3A_255 = vector.broadcast %jit3A_254 : f32 to vector<256x2048xf32>
    %select_n3A_256 = arith.select %eq3A_251, %broadcast_in_dim3A_255, %select_n3A_229 : vector<256x2048xi1>, vector<256x2048xf32>
    %reduce_min3A_257 = arith.constant dense<0x7F800000> : vector<256xf32>
    %reduce_min3A_258 = vector.multi_reduction <minimumf>, %select_n3A_252, %reduce_min3A_257 [1] : vector<256x2048xf32> to vector<256xf32>
    %broadcast_in_dim3A_259 = vector.shape_cast %reduce_min3A_258 : vector<256xf32> to vector<256x1xf32>
    %eq3A_260 = vector.broadcast %broadcast_in_dim3A_259 : vector<256x1xf32> to vector<256x2048xf32>
    %eq3A_261 = arith.cmpf oeq, %select_n3A_252, %eq3A_260 : vector<256x2048xf32>
    %jit3A_262 = arith.constant 4096 : i32
    %broadcast_in_dim3A_263 = vector.broadcast %jit3A_262 : i32 to vector<256x2048xi32>
    %select_n3A_264 = arith.select %eq3A_261, %select_n3A_253, %broadcast_in_dim3A_263 : vector<256x2048xi1>, vector<256x2048xi32>
    %reduce_min3A_265 = arith.constant dense<2147483647> : vector<256xi32>
    %reduce_min3A_266 = vector.multi_reduction <minsi>, %select_n3A_264, %reduce_min3A_265 [1] : vector<256x2048xi32> to vector<256xi32>
    %broadcast_in_dim3A_267 = vector.shape_cast %reduce_min3A_266 : vector<256xi32> to vector<256x1xi32>
    %squeeze3A_268 = vector.shape_cast %broadcast_in_dim3A_267 : vector<256x1xi32> to vector<256xi32>
    %add3A_269 = vector.broadcast %mul3A_35 : i32 to vector<256xi32>
    %add3A_270 = arith.addi %squeeze3A_268, %add3A_269 : vector<256xi32>
    %swap3A_271 = arith.constant 0 : index
    %swap3A_272 = arith.constant 0 : index
    %swap3A_273 = arith.constant 8 : index
    %swap3A_274 = vector.load %arg4[%swap3A_271, %swap3A_272, %swap3A_273] : memref<1x256x16xi32, #tpu.memory_space<vmem>>, vector<1x256x1xi32>
    %swap3A_275 = vector.shape_cast %swap3A_274 : vector<1x256x1xi32> to vector<256xi32>
    %swap3A_276 = vector.shape_cast %add3A_270 : vector<256xi32> to vector<1x256x1xi32>
    tpu.vector_store %arg4[%swap3A_271, %swap3A_272, %swap3A_273], %swap3A_276 {strides = array<i32>} : memref<1x256x16xi32, #tpu.memory_space<vmem>>, vector<1x256x1xi32>,
    %eq3A_277 = vector.broadcast %broadcast_in_dim3A_267 : vector<256x1xi32> to vector<256x2048xi32>
    %eq3A_278 = arith.cmpi eq, %select_n3A_253, %eq3A_277 : vector<256x2048xi32>
    %select_n3A_279 = arith.select %eq3A_278, %select_n3A_256, %select_n3A_252 : vector<256x2048xi1>, vector<256x2048xf32>
    %select_n3A_280 = arith.select %eq3A_278, %select_n3A_46, %select_n3A_253 : vector<256x2048xi1>, vector<256x2048xi32>
    %jit3A_281 = arith.constant 3.000000e+38 : f32
    %broadcast_in_dim3A_282 = vector.broadcast %jit3A_281 : f32 to vector<256x2048xf32>
    %select_n3A_283 = arith.select %eq3A_278, %broadcast_in_dim3A_282, %select_n3A_256 : vector<256x2048xi1>, vector<256x2048xf32>
    %reduce_min3A_284 = arith.constant dense<0x7F800000> : vector<256xf32>
    %reduce_min3A_285 = vector.multi_reduction <minimumf>, %select_n3A_279, %reduce_min3A_284 [1] : vector<256x2048xf32> to vector<256xf32>
    %broadcast_in_dim3A_286 = vector.shape_cast %reduce_min3A_285 : vector<256xf32> to vector<256x1xf32>
    %eq3A_287 = vector.broadcast %broadcast_in_dim3A_286 : vector<256x1xf32> to vector<256x2048xf32>
    %eq3A_288 = arith.cmpf oeq, %select_n3A_279, %eq3A_287 : vector<256x2048xf32>
    %jit3A_289 = arith.constant 4096 : i32
    %broadcast_in_dim3A_290 = vector.broadcast %jit3A_289 : i32 to vector<256x2048xi32>
    %select_n3A_291 = arith.select %eq3A_288, %select_n3A_280, %broadcast_in_dim3A_290 : vector<256x2048xi1>, vector<256x2048xi32>
    %reduce_min3A_292 = arith.constant dense<2147483647> : vector<256xi32>
    %reduce_min3A_293 = vector.multi_reduction <minsi>, %select_n3A_291, %reduce_min3A_292 [1] : vector<256x2048xi32> to vector<256xi32>
    %broadcast_in_dim3A_294 = vector.shape_cast %reduce_min3A_293 : vector<256xi32> to vector<256x1xi32>
    %squeeze3A_295 = vector.shape_cast %broadcast_in_dim3A_294 : vector<256x1xi32> to vector<256xi32>
    %add3A_296 = vector.broadcast %mul3A_35 : i32 to vector<256xi32>
    %add3A_297 = arith.addi %squeeze3A_295, %add3A_296 : vector<256xi32>
    %swap3A_298 = arith.constant 0 : index
    %swap3A_299 = arith.constant 0 : index
    %swap3A_300 = arith.constant 9 : index
    %swap3A_301 = vector.load %arg4[%swap3A_298, %swap3A_299, %swap3A_300] : memref<1x256x16xi32, #tpu.memory_space<vmem>>, vector<1x256x1xi32>
    %swap3A_302 = vector.shape_cast %swap3A_301 : vector<1x256x1xi32> to vector<256xi32>
    %swap3A_303 = vector.shape_cast %add3A_297 : vector<256xi32> to vector<1x256x1xi32>
    tpu.vector_store %arg4[%swap3A_298, %swap3A_299, %swap3A_300], %swap3A_303 {strides = array<i32>} : memref<1x256x16xi32, #tpu.memory_space<vmem>>, vector<1x256x1xi32>,
    %eq3A_304 = vector.broadcast %broadcast_in_dim3A_294 : vector<256x1xi32> to vector<256x2048xi32>
    %eq3A_305 = arith.cmpi eq, %select_n3A_280, %eq3A_304 : vector<256x2048xi32>
    %select_n3A_306 = arith.select %eq3A_305, %select_n3A_283, %select_n3A_279 : vector<256x2048xi1>, vector<256x2048xf32>
    %select_n3A_307 = arith.select %eq3A_305, %select_n3A_46, %select_n3A_280 : vector<256x2048xi1>, vector<256x2048xi32>
    %jit3A_308 = arith.constant 3.000000e+38 : f32
    %broadcast_in_dim3A_309 = vector.broadcast %jit3A_308 : f32 to vector<256x2048xf32>
    %select_n3A_310 = arith.select %eq3A_305, %broadcast_in_dim3A_309, %select_n3A_283 : vector<256x2048xi1>, vector<256x2048xf32>
    %reduce_min3A_311 = arith.constant dense<0x7F800000> : vector<256xf32>
    %reduce_min3A_312 = vector.multi_reduction <minimumf>, %select_n3A_306, %reduce_min3A_311 [1] : vector<256x2048xf32> to vector<256xf32>
    %broadcast_in_dim3A_313 = vector.shape_cast %reduce_min3A_312 : vector<256xf32> to vector<256x1xf32>
    %eq3A_314 = vector.broadcast %broadcast_in_dim3A_313 : vector<256x1xf32> to vector<256x2048xf32>
    %eq3A_315 = arith.cmpf oeq, %select_n3A_306, %eq3A_314 : vector<256x2048xf32>
    %jit3A_316 = arith.constant 4096 : i32
    %broadcast_in_dim3A_317 = vector.broadcast %jit3A_316 : i32 to vector<256x2048xi32>
    %select_n3A_318 = arith.select %eq3A_315, %select_n3A_307, %broadcast_in_dim3A_317 : vector<256x2048xi1>, vector<256x2048xi32>
    %reduce_min3A_319 = arith.constant dense<2147483647> : vector<256xi32>
    %reduce_min3A_320 = vector.multi_reduction <minsi>, %select_n3A_318, %reduce_min3A_319 [1] : vector<256x2048xi32> to vector<256xi32>
    %broadcast_in_dim3A_321 = vector.shape_cast %reduce_min3A_320 : vector<256xi32> to vector<256x1xi32>
    %squeeze3A_322 = vector.shape_cast %broadcast_in_dim3A_321 : vector<256x1xi32> to vector<256xi32>
    %add3A_323 = vector.broadcast %mul3A_35 : i32 to vector<256xi32>
    %add3A_324 = arith.addi %squeeze3A_322, %add3A_323 : vector<256xi32>
    %swap3A_325 = arith.constant 0 : index
    %swap3A_326 = arith.constant 0 : index
    %swap3A_327 = arith.constant 10 : index
    %swap3A_328 = vector.load %arg4[%swap3A_325, %swap3A_326, %swap3A_327] : memref<1x256x16xi32, #tpu.memory_space<vmem>>, vector<1x256x1xi32>
    %swap3A_329 = vector.shape_cast %swap3A_328 : vector<1x256x1xi32> to vector<256xi32>
    %swap3A_330 = vector.shape_cast %add3A_324 : vector<256xi32> to vector<1x256x1xi32>
    tpu.vector_store %arg4[%swap3A_325, %swap3A_326, %swap3A_327], %swap3A_330 {strides = array<i32>} : memref<1x256x16xi32, #tpu.memory_space<vmem>>, vector<1x256x1xi32>,
    %eq3A_331 = vector.broadcast %broadcast_in_dim3A_321 : vector<256x1xi32> to vector<256x2048xi32>
    %eq3A_332 = arith.cmpi eq, %select_n3A_307, %eq3A_331 : vector<256x2048xi32>
    %select_n3A_333 = arith.select %eq3A_332, %select_n3A_310, %select_n3A_306 : vector<256x2048xi1>, vector<256x2048xf32>
    %select_n3A_334 = arith.select %eq3A_332, %select_n3A_46, %select_n3A_307 : vector<256x2048xi1>, vector<256x2048xi32>
    %jit3A_335 = arith.constant 3.000000e+38 : f32
    %broadcast_in_dim3A_336 = vector.broadcast %jit3A_335 : f32 to vector<256x2048xf32>
    %select_n3A_337 = arith.select %eq3A_332, %broadcast_in_dim3A_336, %select_n3A_310 : vector<256x2048xi1>, vector<256x2048xf32>
    %reduce_min3A_338 = arith.constant dense<0x7F800000> : vector<256xf32>
    %reduce_min3A_339 = vector.multi_reduction <minimumf>, %select_n3A_333, %reduce_min3A_338 [1] : vector<256x2048xf32> to vector<256xf32>
    %broadcast_in_dim3A_340 = vector.shape_cast %reduce_min3A_339 : vector<256xf32> to vector<256x1xf32>
    %eq3A_341 = vector.broadcast %broadcast_in_dim3A_340 : vector<256x1xf32> to vector<256x2048xf32>
    %eq3A_342 = arith.cmpf oeq, %select_n3A_333, %eq3A_341 : vector<256x2048xf32>
    %jit3A_343 = arith.constant 4096 : i32
    %broadcast_in_dim3A_344 = vector.broadcast %jit3A_343 : i32 to vector<256x2048xi32>
    %select_n3A_345 = arith.select %eq3A_342, %select_n3A_334, %broadcast_in_dim3A_344 : vector<256x2048xi1>, vector<256x2048xi32>
    %reduce_min3A_346 = arith.constant dense<2147483647> : vector<256xi32>
    %reduce_min3A_347 = vector.multi_reduction <minsi>, %select_n3A_345, %reduce_min3A_346 [1] : vector<256x2048xi32> to vector<256xi32>
    %broadcast_in_dim3A_348 = vector.shape_cast %reduce_min3A_347 : vector<256xi32> to vector<256x1xi32>
    %squeeze3A_349 = vector.shape_cast %broadcast_in_dim3A_348 : vector<256x1xi32> to vector<256xi32>
    %add3A_350 = vector.broadcast %mul3A_35 : i32 to vector<256xi32>
    %add3A_351 = arith.addi %squeeze3A_349, %add3A_350 : vector<256xi32>
    %swap3A_352 = arith.constant 0 : index
    %swap3A_353 = arith.constant 0 : index
    %swap3A_354 = arith.constant 11 : index
    %swap3A_355 = vector.load %arg4[%swap3A_352, %swap3A_353, %swap3A_354] : memref<1x256x16xi32, #tpu.memory_space<vmem>>, vector<1x256x1xi32>
    %swap3A_356 = vector.shape_cast %swap3A_355 : vector<1x256x1xi32> to vector<256xi32>
    %swap3A_357 = vector.shape_cast %add3A_351 : vector<256xi32> to vector<1x256x1xi32>
    tpu.vector_store %arg4[%swap3A_352, %swap3A_353, %swap3A_354], %swap3A_357 {strides = array<i32>} : memref<1x256x16xi32, #tpu.memory_space<vmem>>, vector<1x256x1xi32>,
    %eq3A_358 = vector.broadcast %broadcast_in_dim3A_348 : vector<256x1xi32> to vector<256x2048xi32>
    %eq3A_359 = arith.cmpi eq, %select_n3A_334, %eq3A_358 : vector<256x2048xi32>
    %select_n3A_360 = arith.select %eq3A_359, %select_n3A_337, %select_n3A_333 : vector<256x2048xi1>, vector<256x2048xf32>
    %select_n3A_361 = arith.select %eq3A_359, %select_n3A_46, %select_n3A_334 : vector<256x2048xi1>, vector<256x2048xi32>
    %jit3A_362 = arith.constant 3.000000e+38 : f32
    %broadcast_in_dim3A_363 = vector.broadcast %jit3A_362 : f32 to vector<256x2048xf32>
    %select_n3A_364 = arith.select %eq3A_359, %broadcast_in_dim3A_363, %select_n3A_337 : vector<256x2048xi1>, vector<256x2048xf32>
    %reduce_min3A_365 = arith.constant dense<0x7F800000> : vector<256xf32>
    %reduce_min3A_366 = vector.multi_reduction <minimumf>, %select_n3A_360, %reduce_min3A_365 [1] : vector<256x2048xf32> to vector<256xf32>
    %broadcast_in_dim3A_367 = vector.shape_cast %reduce_min3A_366 : vector<256xf32> to vector<256x1xf32>
    %eq3A_368 = vector.broadcast %broadcast_in_dim3A_367 : vector<256x1xf32> to vector<256x2048xf32>
    %eq3A_369 = arith.cmpf oeq, %select_n3A_360, %eq3A_368 : vector<256x2048xf32>
    %jit3A_370 = arith.constant 4096 : i32
    %broadcast_in_dim3A_371 = vector.broadcast %jit3A_370 : i32 to vector<256x2048xi32>
    %select_n3A_372 = arith.select %eq3A_369, %select_n3A_361, %broadcast_in_dim3A_371 : vector<256x2048xi1>, vector<256x2048xi32>
    %reduce_min3A_373 = arith.constant dense<2147483647> : vector<256xi32>
    %reduce_min3A_374 = vector.multi_reduction <minsi>, %select_n3A_372, %reduce_min3A_373 [1] : vector<256x2048xi32> to vector<256xi32>
    %broadcast_in_dim3A_375 = vector.shape_cast %reduce_min3A_374 : vector<256xi32> to vector<256x1xi32>
    %squeeze3A_376 = vector.shape_cast %broadcast_in_dim3A_375 : vector<256x1xi32> to vector<256xi32>
    %add3A_377 = vector.broadcast %mul3A_35 : i32 to vector<256xi32>
    %add3A_378 = arith.addi %squeeze3A_376, %add3A_377 : vector<256xi32>
    %swap3A_379 = arith.constant 0 : index
    %swap3A_380 = arith.constant 0 : index
    %swap3A_381 = arith.constant 12 : index
    %swap3A_382 = vector.load %arg4[%swap3A_379, %swap3A_380, %swap3A_381] : memref<1x256x16xi32, #tpu.memory_space<vmem>>, vector<1x256x1xi32>
    %swap3A_383 = vector.shape_cast %swap3A_382 : vector<1x256x1xi32> to vector<256xi32>
    %swap3A_384 = vector.shape_cast %add3A_378 : vector<256xi32> to vector<1x256x1xi32>
    tpu.vector_store %arg4[%swap3A_379, %swap3A_380, %swap3A_381], %swap3A_384 {strides = array<i32>} : memref<1x256x16xi32, #tpu.memory_space<vmem>>, vector<1x256x1xi32>,
    %eq3A_385 = vector.broadcast %broadcast_in_dim3A_375 : vector<256x1xi32> to vector<256x2048xi32>
    %eq3A_386 = arith.cmpi eq, %select_n3A_361, %eq3A_385 : vector<256x2048xi32>
    %select_n3A_387 = arith.select %eq3A_386, %select_n3A_364, %select_n3A_360 : vector<256x2048xi1>, vector<256x2048xf32>
    %select_n3A_388 = arith.select %eq3A_386, %select_n3A_46, %select_n3A_361 : vector<256x2048xi1>, vector<256x2048xi32>
    %jit3A_389 = arith.constant 3.000000e+38 : f32
    %broadcast_in_dim3A_390 = vector.broadcast %jit3A_389 : f32 to vector<256x2048xf32>
    %select_n3A_391 = arith.select %eq3A_386, %broadcast_in_dim3A_390, %select_n3A_364 : vector<256x2048xi1>, vector<256x2048xf32>
    %reduce_min3A_392 = arith.constant dense<0x7F800000> : vector<256xf32>
    %reduce_min3A_393 = vector.multi_reduction <minimumf>, %select_n3A_387, %reduce_min3A_392 [1] : vector<256x2048xf32> to vector<256xf32>
    %broadcast_in_dim3A_394 = vector.shape_cast %reduce_min3A_393 : vector<256xf32> to vector<256x1xf32>
    %eq3A_395 = vector.broadcast %broadcast_in_dim3A_394 : vector<256x1xf32> to vector<256x2048xf32>
    %eq3A_396 = arith.cmpf oeq, %select_n3A_387, %eq3A_395 : vector<256x2048xf32>
    %jit3A_397 = arith.constant 4096 : i32
    %broadcast_in_dim3A_398 = vector.broadcast %jit3A_397 : i32 to vector<256x2048xi32>
    %select_n3A_399 = arith.select %eq3A_396, %select_n3A_388, %broadcast_in_dim3A_398 : vector<256x2048xi1>, vector<256x2048xi32>
    %reduce_min3A_400 = arith.constant dense<2147483647> : vector<256xi32>
    %reduce_min3A_401 = vector.multi_reduction <minsi>, %select_n3A_399, %reduce_min3A_400 [1] : vector<256x2048xi32> to vector<256xi32>
    %broadcast_in_dim3A_402 = vector.shape_cast %reduce_min3A_401 : vector<256xi32> to vector<256x1xi32>
    %squeeze3A_403 = vector.shape_cast %broadcast_in_dim3A_402 : vector<256x1xi32> to vector<256xi32>
    %add3A_404 = vector.broadcast %mul3A_35 : i32 to vector<256xi32>
    %add3A_405 = arith.addi %squeeze3A_403, %add3A_404 : vector<256xi32>
    %swap3A_406 = arith.constant 0 : index
    %swap3A_407 = arith.constant 0 : index
    %swap3A_408 = arith.constant 13 : index
    %swap3A_409 = vector.load %arg4[%swap3A_406, %swap3A_407, %swap3A_408] : memref<1x256x16xi32, #tpu.memory_space<vmem>>, vector<1x256x1xi32>
    %swap3A_410 = vector.shape_cast %swap3A_409 : vector<1x256x1xi32> to vector<256xi32>
    %swap3A_411 = vector.shape_cast %add3A_405 : vector<256xi32> to vector<1x256x1xi32>
    tpu.vector_store %arg4[%swap3A_406, %swap3A_407, %swap3A_408], %swap3A_411 {strides = array<i32>} : memref<1x256x16xi32, #tpu.memory_space<vmem>>, vector<1x256x1xi32>,
    %eq3A_412 = vector.broadcast %broadcast_in_dim3A_402 : vector<256x1xi32> to vector<256x2048xi32>
    %eq3A_413 = arith.cmpi eq, %select_n3A_388, %eq3A_412 : vector<256x2048xi32>
    %select_n3A_414 = arith.select %eq3A_413, %select_n3A_391, %select_n3A_387 : vector<256x2048xi1>, vector<256x2048xf32>
    %select_n3A_415 = arith.select %eq3A_413, %select_n3A_46, %select_n3A_388 : vector<256x2048xi1>, vector<256x2048xi32>
    %jit3A_416 = arith.constant 3.000000e+38 : f32
    %broadcast_in_dim3A_417 = vector.broadcast %jit3A_416 : f32 to vector<256x2048xf32>
    %select_n3A_418 = arith.select %eq3A_413, %broadcast_in_dim3A_417, %select_n3A_391 : vector<256x2048xi1>, vector<256x2048xf32>
    %reduce_min3A_419 = arith.constant dense<0x7F800000> : vector<256xf32>
    %reduce_min3A_420 = vector.multi_reduction <minimumf>, %select_n3A_414, %reduce_min3A_419 [1] : vector<256x2048xf32> to vector<256xf32>
    %broadcast_in_dim3A_421 = vector.shape_cast %reduce_min3A_420 : vector<256xf32> to vector<256x1xf32>
    %eq3A_422 = vector.broadcast %broadcast_in_dim3A_421 : vector<256x1xf32> to vector<256x2048xf32>
    %eq3A_423 = arith.cmpf oeq, %select_n3A_414, %eq3A_422 : vector<256x2048xf32>
    %jit3A_424 = arith.constant 4096 : i32
    %broadcast_in_dim3A_425 = vector.broadcast %jit3A_424 : i32 to vector<256x2048xi32>
    %select_n3A_426 = arith.select %eq3A_423, %select_n3A_415, %broadcast_in_dim3A_425 : vector<256x2048xi1>, vector<256x2048xi32>
    %reduce_min3A_427 = arith.constant dense<2147483647> : vector<256xi32>
    %reduce_min3A_428 = vector.multi_reduction <minsi>, %select_n3A_426, %reduce_min3A_427 [1] : vector<256x2048xi32> to vector<256xi32>
    %broadcast_in_dim3A_429 = vector.shape_cast %reduce_min3A_428 : vector<256xi32> to vector<256x1xi32>
    %squeeze3A_430 = vector.shape_cast %broadcast_in_dim3A_429 : vector<256x1xi32> to vector<256xi32>
    %add3A_431 = vector.broadcast %mul3A_35 : i32 to vector<256xi32>
    %add3A_432 = arith.addi %squeeze3A_430, %add3A_431 : vector<256xi32>
    %swap3A_433 = arith.constant 0 : index
    %swap3A_434 = arith.constant 0 : index
    %swap3A_435 = arith.constant 14 : index
    %swap3A_436 = vector.load %arg4[%swap3A_433, %swap3A_434, %swap3A_435] : memref<1x256x16xi32, #tpu.memory_space<vmem>>, vector<1x256x1xi32>
    %swap3A_437 = vector.shape_cast %swap3A_436 : vector<1x256x1xi32> to vector<256xi32>
    %swap3A_438 = vector.shape_cast %add3A_432 : vector<256xi32> to vector<1x256x1xi32>
    tpu.vector_store %arg4[%swap3A_433, %swap3A_434, %swap3A_435], %swap3A_438 {strides = array<i32>} : memref<1x256x16xi32, #tpu.memory_space<vmem>>, vector<1x256x1xi32>,
    %eq3A_439 = vector.broadcast %broadcast_in_dim3A_429 : vector<256x1xi32> to vector<256x2048xi32>
    %eq3A_440 = arith.cmpi eq, %select_n3A_415, %eq3A_439 : vector<256x2048xi32>
    %select_n3A_441 = arith.select %eq3A_440, %select_n3A_418, %select_n3A_414 : vector<256x2048xi1>, vector<256x2048xf32>
    %select_n3A_442 = arith.select %eq3A_440, %select_n3A_46, %select_n3A_415 : vector<256x2048xi1>, vector<256x2048xi32>
    %reduce_min3A_443 = arith.constant dense<0x7F800000> : vector<256xf32>
    %reduce_min3A_444 = vector.multi_reduction <minimumf>, %select_n3A_441, %reduce_min3A_443 [1] : vector<256x2048xf32> to vector<256xf32>
    %broadcast_in_dim3A_445 = vector.shape_cast %reduce_min3A_444 : vector<256xf32> to vector<256x1xf32>
    %eq3A_446 = vector.broadcast %broadcast_in_dim3A_445 : vector<256x1xf32> to vector<256x2048xf32>
    %eq3A_447 = arith.cmpf oeq, %select_n3A_441, %eq3A_446 : vector<256x2048xf32>
    %jit3A_448 = arith.constant 4096 : i32
    %broadcast_in_dim3A_449 = vector.broadcast %jit3A_448 : i32 to vector<256x2048xi32>
    %select_n3A_450 = arith.select %eq3A_447, %select_n3A_442, %broadcast_in_dim3A_449 : vector<256x2048xi1>, vector<256x2048xi32>
    %reduce_min3A_451 = arith.constant dense<2147483647> : vector<256xi32>
    %reduce_min3A_452 = vector.multi_reduction <minsi>, %select_n3A_450, %reduce_min3A_451 [1] : vector<256x2048xi32> to vector<256xi32>
    %broadcast_in_dim3A_453 = vector.shape_cast %reduce_min3A_452 : vector<256xi32> to vector<256x1xi32>
    %squeeze3A_454 = vector.shape_cast %broadcast_in_dim3A_453 : vector<256x1xi32> to vector<256xi32>
    %add3A_455 = vector.broadcast %mul3A_35 : i32 to vector<256xi32>
    %add3A_456 = arith.addi %squeeze3A_454, %add3A_455 : vector<256xi32>
    %swap3A_457 = arith.constant 0 : index
    %swap3A_458 = arith.constant 0 : index
    %swap3A_459 = arith.constant 15 : index
    %swap3A_460 = vector.load %arg4[%swap3A_457, %swap3A_458, %swap3A_459] : memref<1x256x16xi32, #tpu.memory_space<vmem>>, vector<1x256x1xi32>
    %swap3A_461 = vector.shape_cast %swap3A_460 : vector<1x256x1xi32> to vector<256xi32>
    %swap3A_462 = vector.shape_cast %add3A_456 : vector<256xi32> to vector<1x256x1xi32>
    tpu.vector_store %arg4[%swap3A_457, %swap3A_458, %swap3A_459], %swap3A_462 {strides = array<i32>} : memref<1x256x16xi32, #tpu.memory_space<vmem>>, vector<1x256x1xi32>,
    return
  }
  func.func @transform_0(%arg0: i32, %arg1: i32) -> (i32, i32, i32) {
    %add3A = arith.constant 0 : i32
    %add3A_0 = arith.addi %arg0, %add3A : i32
    %c0_i32 = arith.constant 0 : i32
    %c0_i32_1 = arith.constant 0 : i32
    %c0_i32_2 = arith.constant 0 : i32
    return %add3A_0, %c0_i32, %c0_i32_1 : i32, i32, i32
  }
  func.func @transform_1(%arg0: i32, %arg1: i32) -> (i32, i32, i32) {
    %add3A = arith.constant 0 : i32
    %add3A_0 = arith.addi %arg0, %add3A : i32
    %c0_i32 = arith.constant 0 : i32
    %c0_i32_1 = arith.constant 0 : i32
    return %add3A_0, %arg1, %c0_i32 : i32, i32, i32
  }
  func.func @transform_2(%arg0: i32, %arg1: i32) -> (i32, i32, i32) {
    %c0_i32 = arith.constant 0 : i32
    %c0_i32_0 = arith.constant 0 : i32
    return %arg0, %arg1, %c0_i32 : i32, i32, i32
  }
}

module attributes {stable_mosaic.version = 14 : i64} {
  func.func @_mlp1_body(%arg0: i32, %arg1: memref<512x144xf32, #tpu.memory_space<vmem>>, %arg2: memref<32x8xf32, #tpu.memory_space<vmem>>, %arg3: memref<128x128xf32, #tpu.memory_space<vmem>>, %arg4: memref<8x128xf32, #tpu.memory_space<vmem>>, %arg5: memref<512x128xf32, #tpu.memory_space<vmem>>, %arg6: memref<512x8xf32, #tpu.memory_space<vmem>>, %arg7: memref<8x128xf32, #tpu.memory_space<vmem>>, %arg8: memref<8x128xf32, #tpu.memory_space<vmem>>) attributes {dimension_semantics = [#tpu.dimension_semantics<arbitrary>], iteration_bounds = array<i64: 256>, scalar_prefetch = 0 : i64, scratch_operands = 0 : i64, tpu.core_type = #tpu.core_type<tc>, window_params = [{transform_indices = @transform_0, window_bounds = array<i64: 512, 144>}, {transform_indices = @transform_1, window_bounds = array<i64: 32, 8>}, {pipeline_mode = #tpu.pipeline_mode<synchronous>, transform_indices = @transform_2, window_bounds = array<i64: 128, 128>}, {pipeline_mode = #tpu.pipeline_mode<synchronous>, transform_indices = @transform_3, window_bounds = array<i64: 8, 128>}, {transform_indices = @transform_4, window_bounds = array<i64: 512, 128>}, {transform_indices = @transform_5, window_bounds = array<i64: 512, 8>}, {pipeline_mode = #tpu.pipeline_mode<synchronous>, transform_indices = @transform_6, window_bounds = array<i64: 8, 128>}, {pipeline_mode = #tpu.pipeline_mode<synchronous>, transform_indices = @transform_7, window_bounds = array<i64: 8, 128>}]} {
    %get3A = arith.constant 0 : index
    %get3A_0 = arith.constant 0 : index
    %get3A_1 = vector.load %arg1[%get3A, %get3A_0] : memref<512x144xf32, #tpu.memory_space<vmem>>, vector<512x144xf32>
    %slice3A = vector.extract_strided_slice %get3A_1 {offsets = [0, 0], sizes = [512, 128], strides = [1, 1]} : vector<512x144xf32> to vector<512x128xf32>
    %slice3A_2 = vector.extract_strided_slice %get3A_1 {offsets = [0, 128], sizes = [512, 8], strides = [1, 1]} : vector<512x144xf32> to vector<512x8xf32>
    %get3A_3 = arith.constant 0 : index
    %get3A_4 = arith.constant 0 : index
    %get3A_5 = vector.load %arg2[%get3A_3, %get3A_4] : memref<32x8xf32, #tpu.memory_space<vmem>>, vector<32x8xf32>
    %reshape3A = vector.shape_cast %slice3A_2 : vector<512x8xf32> to vector<32x16x8xf32>
    %broadcast_in_dim3A = vector.shape_cast %get3A_5 : vector<32x8xf32> to vector<32x1x8xf32>
    %sub3A = vector.broadcast %broadcast_in_dim3A : vector<32x1x8xf32> to vector<32x16x8xf32>
    %sub3A_6 = arith.subf %reshape3A, %sub3A : vector<32x16x8xf32>
    %reshape3A_7 = vector.shape_cast %sub3A_6 : vector<32x16x8xf32> to vector<512x8xf32>
    %get3A_8 = arith.constant 0 : index
    %get3A_9 = arith.constant 0 : index
    %get3A_10 = vector.load %arg3[%get3A_8, %get3A_9] : memref<128x128xf32, #tpu.memory_space<vmem>>, vector<128x128xf32>
    %dot_general3A = arith.constant dense<0.000000e+00> : vector<512x128xf32>
    %dot_general3A_11 = tpu.matmul %slice3A, %get3A_10, %dot_general3A {dimension_numbers = #tpu.dot_dimension_numbers<[1], [0], [0], [1], [0, 0, 1, 1], [], []>, transpose_lhs_hint = false} : vector<512x128xf32>, vector<128x128xf32>, vector<512x128xf32> -> vector<512x128xf32>
    %get3A_12 = arith.constant 0 : index
    %get3A_13 = arith.constant 0 : index
    %get3A_14 = vector.load %arg4[%get3A_12, %get3A_13] : memref<8x128xf32, #tpu.memory_space<vmem>>, vector<8x128xf32>
    %dot_general3A_15 = arith.constant dense<0.000000e+00> : vector<512x128xf32>
    %dot_general3A_16 = tpu.matmul %reshape3A_7, %get3A_14, %dot_general3A_15 {dimension_numbers = #tpu.dot_dimension_numbers<[1], [0], [0], [1], [0, 0, 1, 1], [], []>, transpose_lhs_hint = false} : vector<512x8xf32>, vector<8x128xf32>, vector<512x128xf32> -> vector<512x128xf32>
    %add3A = arith.addf %dot_general3A_11, %dot_general3A_16 : vector<512x128xf32>
    %swap3A = arith.constant 0 : index
    %swap3A_17 = arith.constant 0 : index
    %swap3A_18 = vector.load %arg5[%swap3A, %swap3A_17] : memref<512x128xf32, #tpu.memory_space<vmem>>, vector<512x128xf32>
    tpu.vector_store %arg5[%swap3A, %swap3A_17], %add3A {strides = array<i32>} : memref<512x128xf32, #tpu.memory_space<vmem>>, vector<512x128xf32>,
    %swap3A_19 = arith.constant 0 : index
    %swap3A_20 = arith.constant 0 : index
    %swap3A_21 = vector.load %arg6[%swap3A_19, %swap3A_20] : memref<512x8xf32, #tpu.memory_space<vmem>>, vector<512x8xf32>
    tpu.vector_store %arg6[%swap3A_19, %swap3A_20], %reshape3A_7 {strides = array<i32>} : memref<512x8xf32, #tpu.memory_space<vmem>>, vector<512x8xf32>,
    %eq3A = arith.constant 0 : i32
    %eq3A_22 = arith.cmpi eq, %arg0, %eq3A : i32
    %convert_element_type3A = arith.extui %eq3A_22 : i1 to i32
    %cond3A = arith.constant 0 : i32
    %cond3A_23 = arith.cmpi ne, %convert_element_type3A, %cond3A : i32
    scf.if %cond3A_23 {
      %broadcast_in_dim3A_45 = arith.constant 0.000000e+00 : f32
      %broadcast_in_dim3A_46 = vector.broadcast %broadcast_in_dim3A_45 : f32 to vector<8x128xf32>
      %swap3A_47 = arith.constant 0 : index
      %swap3A_48 = arith.constant 0 : index
      %swap3A_49 = vector.load %arg7[%swap3A_47, %swap3A_48] : memref<8x128xf32, #tpu.memory_space<vmem>>, vector<8x128xf32>
      tpu.vector_store %arg7[%swap3A_47, %swap3A_48], %broadcast_in_dim3A_46 {strides = array<i32>} : memref<8x128xf32, #tpu.memory_space<vmem>>, vector<8x128xf32>,
      %broadcast_in_dim3A_50 = arith.constant 0.000000e+00 : f32
      %broadcast_in_dim3A_51 = vector.broadcast %broadcast_in_dim3A_50 : f32 to vector<8x128xf32>
      %swap3A_52 = arith.constant 0 : index
      %swap3A_53 = arith.constant 0 : index
      %swap3A_54 = vector.load %arg8[%swap3A_52, %swap3A_53] : memref<8x128xf32, #tpu.memory_space<vmem>>, vector<8x128xf32>
      tpu.vector_store %arg8[%swap3A_52, %swap3A_53], %broadcast_in_dim3A_51 {strides = array<i32>} : memref<8x128xf32, #tpu.memory_space<vmem>>, vector<8x128xf32>,
    } else {
    }
    %get3A_24 = arith.constant 0 : index
    %get3A_25 = arith.constant 0 : index
    %get3A_26 = vector.load %arg7[%get3A_24, %get3A_25] : memref<8x128xf32, #tpu.memory_space<vmem>>, vector<8x128xf32>
    %reduce_sum3A = arith.constant dense<0.000000e+00> : vector<128xf32>
    %reduce_sum3A_27 = vector.multi_reduction <add>, %add3A, %reduce_sum3A [0] : vector<512x128xf32> to vector<128xf32>
    %broadcast_in_dim3A_28 = vector.shape_cast %reduce_sum3A_27 : vector<128xf32> to vector<1x128xf32>
    %add3A_29 = vector.broadcast %broadcast_in_dim3A_28 : vector<1x128xf32> to vector<8x128xf32>
    %add3A_30 = arith.addf %get3A_26, %add3A_29 : vector<8x128xf32>
    %swap3A_31 = arith.constant 0 : index
    %swap3A_32 = arith.constant 0 : index
    %swap3A_33 = vector.load %arg7[%swap3A_31, %swap3A_32] : memref<8x128xf32, #tpu.memory_space<vmem>>, vector<8x128xf32>
    tpu.vector_store %arg7[%swap3A_31, %swap3A_32], %add3A_30 {strides = array<i32>} : memref<8x128xf32, #tpu.memory_space<vmem>>, vector<8x128xf32>,
    %get3A_34 = arith.constant 0 : index
    %get3A_35 = arith.constant 0 : index
    %get3A_36 = vector.load %arg8[%get3A_34, %get3A_35] : memref<8x128xf32, #tpu.memory_space<vmem>>, vector<8x128xf32>
    %mul3A = arith.mulf %add3A, %add3A : vector<512x128xf32>
    %reduce_sum3A_37 = arith.constant dense<0.000000e+00> : vector<128xf32>
    %reduce_sum3A_38 = vector.multi_reduction <add>, %mul3A, %reduce_sum3A_37 [0] : vector<512x128xf32> to vector<128xf32>
    %broadcast_in_dim3A_39 = vector.shape_cast %reduce_sum3A_38 : vector<128xf32> to vector<1x128xf32>
    %add3A_40 = vector.broadcast %broadcast_in_dim3A_39 : vector<1x128xf32> to vector<8x128xf32>
    %add3A_41 = arith.addf %get3A_36, %add3A_40 : vector<8x128xf32>
    %swap3A_42 = arith.constant 0 : index
    %swap3A_43 = arith.constant 0 : index
    %swap3A_44 = vector.load %arg8[%swap3A_42, %swap3A_43] : memref<8x128xf32, #tpu.memory_space<vmem>>, vector<8x128xf32>
    tpu.vector_store %arg8[%swap3A_42, %swap3A_43], %add3A_41 {strides = array<i32>} : memref<8x128xf32, #tpu.memory_space<vmem>>, vector<8x128xf32>,
    return
  }
  func.func @transform_0(%arg0: i32) -> (i32, i32) {
    %c0_i32 = arith.constant 0 : i32
    %c0_i32_0 = arith.constant 0 : i32
    return %arg0, %c0_i32 : i32, i32
  }
  func.func @transform_1(%arg0: i32) -> (i32, i32) {
    %c0_i32 = arith.constant 0 : i32
    %c0_i32_0 = arith.constant 0 : i32
    return %arg0, %c0_i32 : i32, i32
  }
  func.func @transform_2(%arg0: i32) -> (i32, i32) {
    %c0_i32 = arith.constant 0 : i32
    %c0_i32_0 = arith.constant 0 : i32
    %c0_i32_1 = arith.constant 0 : i32
    return %c0_i32, %c0_i32_0 : i32, i32
  }
  func.func @transform_3(%arg0: i32) -> (i32, i32) {
    %c0_i32 = arith.constant 0 : i32
    %c0_i32_0 = arith.constant 0 : i32
    %c0_i32_1 = arith.constant 0 : i32
    return %c0_i32, %c0_i32_0 : i32, i32
  }
  func.func @transform_4(%arg0: i32) -> (i32, i32) {
    %c0_i32 = arith.constant 0 : i32
    %c0_i32_0 = arith.constant 0 : i32
    return %arg0, %c0_i32 : i32, i32
  }
  func.func @transform_5(%arg0: i32) -> (i32, i32) {
    %c0_i32 = arith.constant 0 : i32
    %c0_i32_0 = arith.constant 0 : i32
    return %arg0, %c0_i32 : i32, i32
  }
  func.func @transform_6(%arg0: i32) -> (i32, i32) {
    %c0_i32 = arith.constant 0 : i32
    %c0_i32_0 = arith.constant 0 : i32
    %c0_i32_1 = arith.constant 0 : i32
    return %c0_i32, %c0_i32_0 : i32, i32
  }
  func.func @transform_7(%arg0: i32) -> (i32, i32) {
    %c0_i32 = arith.constant 0 : i32
    %c0_i32_0 = arith.constant 0 : i32
    %c0_i32_1 = arith.constant 0 : i32
    return %c0_i32, %c0_i32_0 : i32, i32
  }
}

module attributes {stable_mosaic.version = 14 : i64} {
  func.func @_mlp2_body(%arg0: i32, %arg1: memref<512x128xf32, #tpu.memory_space<vmem>>, %arg2: memref<8x128xf32, #tpu.memory_space<vmem>>, %arg3: memref<8x128xf32, #tpu.memory_space<vmem>>, %arg4: memref<1x128xf32, #tpu.memory_space<vmem>>, %arg5: memref<1x128xf32, #tpu.memory_space<vmem>>, %arg6: memref<128x256xf32, #tpu.memory_space<vmem>>, %arg7: memref<512x256xf32, #tpu.memory_space<vmem>>, %arg8: memref<8x256xf32, #tpu.memory_space<vmem>>, %arg9: memref<8x256xf32, #tpu.memory_space<vmem>>) attributes {dimension_semantics = [#tpu.dimension_semantics<arbitrary>], iteration_bounds = array<i64: 256>, scalar_prefetch = 0 : i64, scratch_operands = 0 : i64, tpu.core_type = #tpu.core_type<tc>, window_params = [{transform_indices = @transform_0, window_bounds = array<i64: 512, 128>}, {pipeline_mode = #tpu.pipeline_mode<synchronous>, transform_indices = @transform_1, window_bounds = array<i64: 8, 128>}, {pipeline_mode = #tpu.pipeline_mode<synchronous>, transform_indices = @transform_2, window_bounds = array<i64: 8, 128>}, {pipeline_mode = #tpu.pipeline_mode<synchronous>, transform_indices = @transform_3, window_bounds = array<i64: 1, 128>}, {pipeline_mode = #tpu.pipeline_mode<synchronous>, transform_indices = @transform_4, window_bounds = array<i64: 1, 128>}, {pipeline_mode = #tpu.pipeline_mode<synchronous>, transform_indices = @transform_5, window_bounds = array<i64: 128, 256>}, {transform_indices = @transform_6, window_bounds = array<i64: 512, 256>}, {pipeline_mode = #tpu.pipeline_mode<synchronous>, transform_indices = @transform_7, window_bounds = array<i64: 8, 256>}, {pipeline_mode = #tpu.pipeline_mode<synchronous>, transform_indices = @transform_8, window_bounds = array<i64: 8, 256>}]} {
    %get3A = arith.constant 0 : index
    %get3A_0 = arith.constant 0 : index
    %get3A_1 = vector.load %arg2[%get3A, %get3A_0] : memref<8x128xf32, #tpu.memory_space<vmem>>, vector<1x128xf32>
    %mul3A = arith.constant 7.62939453E-6 : f32
    %mul3A_2 = vector.broadcast %mul3A : f32 to vector<1x128xf32>
    %mul3A_3 = arith.mulf %get3A_1, %mul3A_2 : vector<1x128xf32>
    %get3A_4 = arith.constant 0 : index
    %get3A_5 = arith.constant 0 : index
    %get3A_6 = vector.load %arg3[%get3A_4, %get3A_5] : memref<8x128xf32, #tpu.memory_space<vmem>>, vector<1x128xf32>
    %mul3A_7 = arith.constant 7.62939453E-6 : f32
    %mul3A_8 = vector.broadcast %mul3A_7 : f32 to vector<1x128xf32>
    %mul3A_9 = arith.mulf %get3A_6, %mul3A_8 : vector<1x128xf32>
    %mul3A_10 = arith.mulf %mul3A_3, %mul3A_3 : vector<1x128xf32>
    %sub3A = arith.subf %mul3A_9, %mul3A_10 : vector<1x128xf32>
    %get3A_11 = arith.constant 0 : index
    %get3A_12 = arith.constant 0 : index
    %get3A_13 = vector.load %arg4[%get3A_11, %get3A_12] : memref<1x128xf32, #tpu.memory_space<vmem>>, vector<1x128xf32>
    %add3A = arith.constant 9.99999974E-6 : f32
    %add3A_14 = vector.broadcast %add3A : f32 to vector<1x128xf32>
    %add3A_15 = arith.addf %sub3A, %add3A_14 : vector<1x128xf32>
    %rsqrt3A = math.rsqrt %add3A_15 : vector<1x128xf32>
    %mul3A_16 = arith.mulf %get3A_13, %rsqrt3A : vector<1x128xf32>
    %get3A_17 = arith.constant 0 : index
    %get3A_18 = arith.constant 0 : index
    %get3A_19 = vector.load %arg5[%get3A_17, %get3A_18] : memref<1x128xf32, #tpu.memory_space<vmem>>, vector<1x128xf32>
    %mul3A_20 = arith.mulf %mul3A_3, %mul3A_16 : vector<1x128xf32>
    %sub3A_21 = arith.subf %get3A_19, %mul3A_20 : vector<1x128xf32>
    %get3A_22 = arith.constant 0 : index
    %get3A_23 = arith.constant 0 : index
    %get3A_24 = vector.load %arg1[%get3A_22, %get3A_23] : memref<512x128xf32, #tpu.memory_space<vmem>>, vector<512x128xf32>
    %mul3A_25 = vector.broadcast %mul3A_16 : vector<1x128xf32> to vector<512x128xf32>
    %mul3A_26 = arith.mulf %get3A_24, %mul3A_25 : vector<512x128xf32>
    %add3A_27 = vector.broadcast %sub3A_21 : vector<1x128xf32> to vector<512x128xf32>
    %add3A_28 = arith.addf %mul3A_26, %add3A_27 : vector<512x128xf32>
    %max3A = arith.constant 0.000000e+00 : f32
    %max3A_29 = vector.broadcast %max3A : f32 to vector<512x128xf32>
    %max3A_30 = arith.maximumf %add3A_28, %max3A_29 : vector<512x128xf32>
    %get3A_31 = arith.constant 0 : index
    %get3A_32 = arith.constant 0 : index
    %get3A_33 = vector.load %arg6[%get3A_31, %get3A_32] : memref<128x256xf32, #tpu.memory_space<vmem>>, vector<128x256xf32>
    %dot_general3A = arith.constant dense<0.000000e+00> : vector<512x256xf32>
    %dot_general3A_34 = tpu.matmul %max3A_30, %get3A_33, %dot_general3A {dimension_numbers = #tpu.dot_dimension_numbers<[1], [0], [0], [1], [0, 0, 1, 1], [], []>, transpose_lhs_hint = false} : vector<512x128xf32>, vector<128x256xf32>, vector<512x256xf32> -> vector<512x256xf32>
    %swap3A = arith.constant 0 : index
    %swap3A_35 = arith.constant 0 : index
    %swap3A_36 = vector.load %arg7[%swap3A, %swap3A_35] : memref<512x256xf32, #tpu.memory_space<vmem>>, vector<512x256xf32>
    tpu.vector_store %arg7[%swap3A, %swap3A_35], %dot_general3A_34 {strides = array<i32>} : memref<512x256xf32, #tpu.memory_space<vmem>>, vector<512x256xf32>,
    %eq3A = arith.constant 0 : i32
    %eq3A_37 = arith.cmpi eq, %arg0, %eq3A : i32
    %convert_element_type3A = arith.extui %eq3A_37 : i1 to i32
    %cond3A = arith.constant 0 : i32
    %cond3A_38 = arith.cmpi ne, %convert_element_type3A, %cond3A : i32
    scf.if %cond3A_38 {
      %broadcast_in_dim3A_60 = arith.constant 0.000000e+00 : f32
      %broadcast_in_dim3A_61 = vector.broadcast %broadcast_in_dim3A_60 : f32 to vector<8x256xf32>
      %swap3A_62 = arith.constant 0 : index
      %swap3A_63 = arith.constant 0 : index
      %swap3A_64 = vector.load %arg8[%swap3A_62, %swap3A_63] : memref<8x256xf32, #tpu.memory_space<vmem>>, vector<8x256xf32>
      tpu.vector_store %arg8[%swap3A_62, %swap3A_63], %broadcast_in_dim3A_61 {strides = array<i32>} : memref<8x256xf32, #tpu.memory_space<vmem>>, vector<8x256xf32>,
      %broadcast_in_dim3A_65 = arith.constant 0.000000e+00 : f32
      %broadcast_in_dim3A_66 = vector.broadcast %broadcast_in_dim3A_65 : f32 to vector<8x256xf32>
      %swap3A_67 = arith.constant 0 : index
      %swap3A_68 = arith.constant 0 : index
      %swap3A_69 = vector.load %arg9[%swap3A_67, %swap3A_68] : memref<8x256xf32, #tpu.memory_space<vmem>>, vector<8x256xf32>
      tpu.vector_store %arg9[%swap3A_67, %swap3A_68], %broadcast_in_dim3A_66 {strides = array<i32>} : memref<8x256xf32, #tpu.memory_space<vmem>>, vector<8x256xf32>,
    } else {
    }
    %get3A_39 = arith.constant 0 : index
    %get3A_40 = arith.constant 0 : index
    %get3A_41 = vector.load %arg8[%get3A_39, %get3A_40] : memref<8x256xf32, #tpu.memory_space<vmem>>, vector<8x256xf32>
    %reduce_sum3A = arith.constant dense<0.000000e+00> : vector<256xf32>
    %reduce_sum3A_42 = vector.multi_reduction <add>, %dot_general3A_34, %reduce_sum3A [0] : vector<512x256xf32> to vector<256xf32>
    %broadcast_in_dim3A = vector.shape_cast %reduce_sum3A_42 : vector<256xf32> to vector<1x256xf32>
    %add3A_43 = vector.broadcast %broadcast_in_dim3A : vector<1x256xf32> to vector<8x256xf32>
    %add3A_44 = arith.addf %get3A_41, %add3A_43 : vector<8x256xf32>
    %swap3A_45 = arith.constant 0 : index
    %swap3A_46 = arith.constant 0 : index
    %swap3A_47 = vector.load %arg8[%swap3A_45, %swap3A_46] : memref<8x256xf32, #tpu.memory_space<vmem>>, vector<8x256xf32>
    tpu.vector_store %arg8[%swap3A_45, %swap3A_46], %add3A_44 {strides = array<i32>} : memref<8x256xf32, #tpu.memory_space<vmem>>, vector<8x256xf32>,
    %get3A_48 = arith.constant 0 : index
    %get3A_49 = arith.constant 0 : index
    %get3A_50 = vector.load %arg9[%get3A_48, %get3A_49] : memref<8x256xf32, #tpu.memory_space<vmem>>, vector<8x256xf32>
    %mul3A_51 = arith.mulf %dot_general3A_34, %dot_general3A_34 : vector<512x256xf32>
    %reduce_sum3A_52 = arith.constant dense<0.000000e+00> : vector<256xf32>
    %reduce_sum3A_53 = vector.multi_reduction <add>, %mul3A_51, %reduce_sum3A_52 [0] : vector<512x256xf32> to vector<256xf32>
    %broadcast_in_dim3A_54 = vector.shape_cast %reduce_sum3A_53 : vector<256xf32> to vector<1x256xf32>
    %add3A_55 = vector.broadcast %broadcast_in_dim3A_54 : vector<1x256xf32> to vector<8x256xf32>
    %add3A_56 = arith.addf %get3A_50, %add3A_55 : vector<8x256xf32>
    %swap3A_57 = arith.constant 0 : index
    %swap3A_58 = arith.constant 0 : index
    %swap3A_59 = vector.load %arg9[%swap3A_57, %swap3A_58] : memref<8x256xf32, #tpu.memory_space<vmem>>, vector<8x256xf32>
    tpu.vector_store %arg9[%swap3A_57, %swap3A_58], %add3A_56 {strides = array<i32>} : memref<8x256xf32, #tpu.memory_space<vmem>>, vector<8x256xf32>,
    return
  }
  func.func @transform_0(%arg0: i32) -> (i32, i32) {
    %c0_i32 = arith.constant 0 : i32
    %c0_i32_0 = arith.constant 0 : i32
    return %arg0, %c0_i32 : i32, i32
  }
  func.func @transform_1(%arg0: i32) -> (i32, i32) {
    %c0_i32 = arith.constant 0 : i32
    %c0_i32_0 = arith.constant 0 : i32
    %c0_i32_1 = arith.constant 0 : i32
    return %c0_i32, %c0_i32_0 : i32, i32
  }
  func.func @transform_2(%arg0: i32) -> (i32, i32) {
    %c0_i32 = arith.constant 0 : i32
    %c0_i32_0 = arith.constant 0 : i32
    %c0_i32_1 = arith.constant 0 : i32
    return %c0_i32, %c0_i32_0 : i32, i32
  }
  func.func @transform_3(%arg0: i32) -> (i32, i32) {
    %c0_i32 = arith.constant 0 : i32
    %c0_i32_0 = arith.constant 0 : i32
    %c0_i32_1 = arith.constant 0 : i32
    return %c0_i32, %c0_i32_0 : i32, i32
  }
  func.func @transform_4(%arg0: i32) -> (i32, i32) {
    %c0_i32 = arith.constant 0 : i32
    %c0_i32_0 = arith.constant 0 : i32
    %c0_i32_1 = arith.constant 0 : i32
    return %c0_i32, %c0_i32_0 : i32, i32
  }
  func.func @transform_5(%arg0: i32) -> (i32, i32) {
    %c0_i32 = arith.constant 0 : i32
    %c0_i32_0 = arith.constant 0 : i32
    %c0_i32_1 = arith.constant 0 : i32
    return %c0_i32, %c0_i32_0 : i32, i32
  }
  func.func @transform_6(%arg0: i32) -> (i32, i32) {
    %c0_i32 = arith.constant 0 : i32
    %c0_i32_0 = arith.constant 0 : i32
    return %arg0, %c0_i32 : i32, i32
  }
  func.func @transform_7(%arg0: i32) -> (i32, i32) {
    %c0_i32 = arith.constant 0 : i32
    %c0_i32_0 = arith.constant 0 : i32
    %c0_i32_1 = arith.constant 0 : i32
    return %c0_i32, %c0_i32_0 : i32, i32
  }
  func.func @transform_8(%arg0: i32) -> (i32, i32) {
    %c0_i32 = arith.constant 0 : i32
    %c0_i32_0 = arith.constant 0 : i32
    %c0_i32_1 = arith.constant 0 : i32
    return %c0_i32, %c0_i32_0 : i32, i32
  }
}

module attributes {stable_mosaic.version = 14 : i64} {
  func.func @_mlp3_body(%arg0: i32, %arg1: memref<512x256xf32, #tpu.memory_space<vmem>>, %arg2: memref<8x256xf32, #tpu.memory_space<vmem>>, %arg3: memref<8x256xf32, #tpu.memory_space<vmem>>, %arg4: memref<1x256xf32, #tpu.memory_space<vmem>>, %arg5: memref<1x256xf32, #tpu.memory_space<vmem>>, %arg6: memref<1x256x512xf32, #tpu.memory_space<vmem>>, %arg7: memref<1x256x32xf32, #tpu.memory_space<vmem>>) attributes {dimension_semantics = [#tpu.dimension_semantics<arbitrary>], iteration_bounds = array<i64: 256>, scalar_prefetch = 0 : i64, scratch_operands = 0 : i64, tpu.core_type = #tpu.core_type<tc>, window_params = [{transform_indices = @transform_0, window_bounds = array<i64: 512, 256>}, {pipeline_mode = #tpu.pipeline_mode<synchronous>, transform_indices = @transform_1, window_bounds = array<i64: 8, 256>}, {pipeline_mode = #tpu.pipeline_mode<synchronous>, transform_indices = @transform_2, window_bounds = array<i64: 8, 256>}, {pipeline_mode = #tpu.pipeline_mode<synchronous>, transform_indices = @transform_3, window_bounds = array<i64: 1, 256>}, {pipeline_mode = #tpu.pipeline_mode<synchronous>, transform_indices = @transform_4, window_bounds = array<i64: 1, 256>}, {transform_indices = @transform_5, window_bounds = array<i64: 1, 256, 512>}, {transform_indices = @transform_6, window_bounds = array<i64: 1, 256, 32>}]} {
    %get3A = arith.constant 0 : index
    %get3A_0 = arith.constant 0 : index
    %get3A_1 = vector.load %arg2[%get3A, %get3A_0] : memref<8x256xf32, #tpu.memory_space<vmem>>, vector<1x256xf32>
    %mul3A = arith.constant 7.62939453E-6 : f32
    %mul3A_2 = vector.broadcast %mul3A : f32 to vector<1x256xf32>
    %mul3A_3 = arith.mulf %get3A_1, %mul3A_2 : vector<1x256xf32>
    %get3A_4 = arith.constant 0 : index
    %get3A_5 = arith.constant 0 : index
    %get3A_6 = vector.load %arg3[%get3A_4, %get3A_5] : memref<8x256xf32, #tpu.memory_space<vmem>>, vector<1x256xf32>
    %mul3A_7 = arith.constant 7.62939453E-6 : f32
    %mul3A_8 = vector.broadcast %mul3A_7 : f32 to vector<1x256xf32>
    %mul3A_9 = arith.mulf %get3A_6, %mul3A_8 : vector<1x256xf32>
    %mul3A_10 = arith.mulf %mul3A_3, %mul3A_3 : vector<1x256xf32>
    %sub3A = arith.subf %mul3A_9, %mul3A_10 : vector<1x256xf32>
    %get3A_11 = arith.constant 0 : index
    %get3A_12 = arith.constant 0 : index
    %get3A_13 = vector.load %arg4[%get3A_11, %get3A_12] : memref<1x256xf32, #tpu.memory_space<vmem>>, vector<1x256xf32>
    %add3A = arith.constant 9.99999974E-6 : f32
    %add3A_14 = vector.broadcast %add3A : f32 to vector<1x256xf32>
    %add3A_15 = arith.addf %sub3A, %add3A_14 : vector<1x256xf32>
    %rsqrt3A = math.rsqrt %add3A_15 : vector<1x256xf32>
    %mul3A_16 = arith.mulf %get3A_13, %rsqrt3A : vector<1x256xf32>
    %get3A_17 = arith.constant 0 : index
    %get3A_18 = arith.constant 0 : index
    %get3A_19 = vector.load %arg5[%get3A_17, %get3A_18] : memref<1x256xf32, #tpu.memory_space<vmem>>, vector<1x256xf32>
    %mul3A_20 = arith.mulf %mul3A_3, %mul3A_16 : vector<1x256xf32>
    %sub3A_21 = arith.subf %get3A_19, %mul3A_20 : vector<1x256xf32>
    %get3A_22 = arith.constant 0 : index
    %get3A_23 = arith.constant 0 : index
    %get3A_24 = vector.load %arg1[%get3A_22, %get3A_23] : memref<512x256xf32, #tpu.memory_space<vmem>>, vector<512x256xf32>
    %mul3A_25 = vector.broadcast %mul3A_16 : vector<1x256xf32> to vector<512x256xf32>
    %mul3A_26 = arith.mulf %get3A_24, %mul3A_25 : vector<512x256xf32>
    %add3A_27 = vector.broadcast %sub3A_21 : vector<1x256xf32> to vector<512x256xf32>
    %add3A_28 = arith.addf %mul3A_26, %add3A_27 : vector<512x256xf32>
    %max3A = arith.constant 0.000000e+00 : f32
    %max3A_29 = vector.broadcast %max3A : f32 to vector<512x256xf32>
    %max3A_30 = arith.maximumf %add3A_28, %max3A_29 : vector<512x256xf32>
    %transpose3A = tpu.transpose %max3A_30, [1, 0] : vector<512x256xf32> -> vector<256x512xf32>
    %swap3A = arith.constant 0 : index
    %swap3A_31 = arith.constant 0 : index
    %swap3A_32 = arith.constant 0 : index
    %swap3A_33 = vector.load %arg6[%swap3A, %swap3A_31, %swap3A_32] : memref<1x256x512xf32, #tpu.memory_space<vmem>>, vector<1x256x512xf32>
    %swap3A_34 = vector.shape_cast %swap3A_33 : vector<1x256x512xf32> to vector<256x512xf32>
    %swap3A_35 = vector.shape_cast %transpose3A : vector<256x512xf32> to vector<1x256x512xf32>
    tpu.vector_store %arg6[%swap3A, %swap3A_31, %swap3A_32], %swap3A_35 {strides = array<i32>} : memref<1x256x512xf32, #tpu.memory_space<vmem>>, vector<1x256x512xf32>,
    %reshape3A = vector.shape_cast %max3A_30 : vector<512x256xf32> to vector<32x16x256xf32>
    %reduce_max3A = arith.constant dense<0xFF800000> : vector<32x256xf32>
    %reduce_max3A_36 = vector.multi_reduction <maximumf>, %reshape3A, %reduce_max3A [1] : vector<32x16x256xf32> to vector<32x256xf32>
    %transpose3A_37 = tpu.transpose %reduce_max3A_36, [1, 0] : vector<32x256xf32> -> vector<256x32xf32>
    %swap3A_38 = arith.constant 0 : index
    %swap3A_39 = arith.constant 0 : index
    %swap3A_40 = arith.constant 0 : index
    %swap3A_41 = vector.load %arg7[%swap3A_38, %swap3A_39, %swap3A_40] : memref<1x256x32xf32, #tpu.memory_space<vmem>>, vector<1x256x32xf32>
    %swap3A_42 = vector.shape_cast %swap3A_41 : vector<1x256x32xf32> to vector<256x32xf32>
    %swap3A_43 = vector.shape_cast %transpose3A_37 : vector<256x32xf32> to vector<1x256x32xf32>
    tpu.vector_store %arg7[%swap3A_38, %swap3A_39, %swap3A_40], %swap3A_43 {strides = array<i32>} : memref<1x256x32xf32, #tpu.memory_space<vmem>>, vector<1x256x32xf32>,
    return
  }
  func.func @transform_0(%arg0: i32) -> (i32, i32) {
    %c0_i32 = arith.constant 0 : i32
    %c0_i32_0 = arith.constant 0 : i32
    return %arg0, %c0_i32 : i32, i32
  }
  func.func @transform_1(%arg0: i32) -> (i32, i32) {
    %c0_i32 = arith.constant 0 : i32
    %c0_i32_0 = arith.constant 0 : i32
    %c0_i32_1 = arith.constant 0 : i32
    return %c0_i32, %c0_i32_0 : i32, i32
  }
  func.func @transform_2(%arg0: i32) -> (i32, i32) {
    %c0_i32 = arith.constant 0 : i32
    %c0_i32_0 = arith.constant 0 : i32
    %c0_i32_1 = arith.constant 0 : i32
    return %c0_i32, %c0_i32_0 : i32, i32
  }
  func.func @transform_3(%arg0: i32) -> (i32, i32) {
    %c0_i32 = arith.constant 0 : i32
    %c0_i32_0 = arith.constant 0 : i32
    %c0_i32_1 = arith.constant 0 : i32
    return %c0_i32, %c0_i32_0 : i32, i32
  }
  func.func @transform_4(%arg0: i32) -> (i32, i32) {
    %c0_i32 = arith.constant 0 : i32
    %c0_i32_0 = arith.constant 0 : i32
    %c0_i32_1 = arith.constant 0 : i32
    return %c0_i32, %c0_i32_0 : i32, i32
  }
  func.func @transform_5(%arg0: i32) -> (i32, i32, i32) {
    %jit3A = arith.constant 32 : i32
    %div3A = arith.divsi %arg0, %jit3A : i32
    %sign3A = arith.constant 0 : i32
    %sign3A_0 = arith.cmpi sgt, %arg0, %sign3A : i32
    %sign3A_1 = arith.extui %sign3A_0 : i1 to i32
    %sign3A_2 = arith.constant 0 : i32
    %sign3A_3 = arith.cmpi slt, %arg0, %sign3A_2 : i32
    %sign3A_4 = arith.extui %sign3A_3 : i1 to i32
    %sign3A_5 = arith.subi %sign3A_1, %sign3A_4 : i32
    %sign3A_6 = arith.constant 0 : i32
    %sign3A_7 = arith.cmpi sgt, %jit3A, %sign3A_6 : i32
    %sign3A_8 = arith.extui %sign3A_7 : i1 to i32
    %sign3A_9 = arith.constant 0 : i32
    %sign3A_10 = arith.cmpi slt, %jit3A, %sign3A_9 : i32
    %sign3A_11 = arith.extui %sign3A_10 : i1 to i32
    %sign3A_12 = arith.subi %sign3A_8, %sign3A_11 : i32
    %ne3A = arith.cmpi ne, %sign3A_5, %sign3A_12 : i32
    %rem3A = arith.remsi %arg0, %jit3A : i32
    %ne3A_13 = arith.constant 0 : i32
    %ne3A_14 = arith.cmpi ne, %rem3A, %ne3A_13 : i32
    %and3A = arith.andi %ne3A, %ne3A_14 : i1
    %sub3A = arith.constant 1 : i32
    %sub3A_15 = arith.subi %div3A, %sub3A : i32
    %select_n3A = arith.select %and3A, %sub3A_15, %div3A : i32
    %jit3A_16 = arith.constant 32 : i32
    %eq3A = arith.constant 0 : i32
    %eq3A_17 = arith.cmpi eq, %jit3A_16, %eq3A : i32
    %jit3A_18 = arith.constant 1 : i32
    %select_n3A_19 = arith.select %eq3A_17, %jit3A_18, %jit3A_16 : i32
    %rem3A_20 = arith.remsi %arg0, %select_n3A_19 : i32
    %ne3A_21 = arith.constant 0 : i32
    %ne3A_22 = arith.cmpi ne, %rem3A_20, %ne3A_21 : i32
    %lt3A = arith.constant 0 : i32
    %lt3A_23 = arith.cmpi slt, %rem3A_20, %lt3A : i32
    %lt3A_24 = arith.constant 0 : i32
    %lt3A_25 = arith.cmpi slt, %select_n3A_19, %lt3A_24 : i32
    %ne3A_26 = arith.xori %lt3A_23, %lt3A_25 : i1
    %and3A_27 = arith.andi %ne3A_26, %ne3A_22 : i1
    %add3A = arith.addi %rem3A_20, %select_n3A_19 : i32
    %select_n3A_28 = arith.select %and3A_27, %add3A, %rem3A_20 : i32
    %c0_i32 = arith.constant 0 : i32
    %c0_i32_29 = arith.constant 0 : i32
    return %select_n3A, %c0_i32, %select_n3A_28 : i32, i32, i32
  }
  func.func @transform_6(%arg0: i32) -> (i32, i32, i32) {
    %c0_i32 = arith.constant 0 : i32
    %c0_i32_0 = arith.constant 0 : i32
    %c0_i32_1 = arith.constant 0 : i32
    return %arg0, %c0_i32, %c0_i32_0 : i32, i32, i32
  }
}

</mosaic_0001>

<sc_bundles>
// kernel: kernel.8.cloned.1.call-start
scs
__scs_entry_jumppad:
0x0: {  	(pc) =	sbr.rel $0x88, $3  }
0x1: {  	(tag) =	ssettag $0x0;
	lr =	simm.s32 $0x1  }
0x2: {  	[smem:$0x3F99] =	sst lr;
	_ =	strace $0xD0000000  }
0x3: {  	_ = 	snop  }
0x4: {  	_ = 	snop  }
0x5: {  	_ = 	snop  }
0x6: {  	_ = 	snop  }
0x7: {  	_ = 	snop  }
__scs_overlays_trampoline_lowered:
0x8: {  	[smem:$0x3FA8] =	sst s0  }
0x9: {  	[smem:$0x3FA9] =	sst s1  }
0xa: {  	[smem:$0x3FAA] =	sst s2  }
0xb: {  	[smem:$0x3FAB] =	sst s3  }
0xc: {  	[smem:$0x3FAC] =	sst s4  }
0xd: {  	[smem:$0x3FAD] =	sst s5  }
0xe: {  	[smem:$0x3FAE] =	sst s6  }
0xf: {  	[smem:$0x3FAF] =	sst s7  }
0x10: {  	[smem:$0x3FB0] =	sst s8  }
0x11: {  	[smem:$0x3FB1] =	sst s9;
	s0 =	simm.s32 @!p0 $0x0  }
0x12: {  	s1 =	sld [smem:$0x3F97];
	s0 =	simm.s32 @p0 $0x1  }
0x13: {  	[smem:$0x3FB2] =	sst s0;
	s0 =	simm.s32 @!p1 $0x0  }
0x14: {  	s2 =	sld [smem:$0x3F96];
	s0 =	simm.s32 @p1 $0x1  }
0x15: {  	[smem:$0x3FB3] =	sst s0;
	s0 =	simm.s32 @!p2 $0x0  }
0x16: {  	s3 =	sld [smem:$0x3FDB];
	s0 =	simm.s32 @p2 $0x1  }
0x17: {  	s4 =	simm.s32 $0x1BF5;
	[smem:$0x3FB5] =	sst s0  }
0x18: {  	s0 =	sld [smem:$0x3F98];
	_ =	swait.ge [sflag:s4], $0x0  }
0x19: {  	s7 =	sld [smem:$0x3F99]  }
0x1a: {  	s8 =	sadd.s32 $0xFFFFE003, lr  }
0x1b: {  	s9 =	sadd.s32 $0xFFFFFEF7, lr;
	s5 =	simm.s32 $0xFFFFFFFF;
	p2 =	slt.u32 s8, $0xFFFFF086  }
0x1c: {  	p1 =	slt.u32 s9, $0xF7A;
	s5 =	simm.s32 @!p2 $0x0  }
0x1d: {  	s5 =	simm.s32 @p1 $0x1;
	p0 =	seq.s32 s7, s2  }
0x1e: {  	s7 =	smul.u32 @!p0 $0xF7A, s2;
	p2 =	seq.s32 @!p0 s5, $0x0  }
0x1f: {  	s9 =	smul.u32 $0xF7A, s1;
	s8 =	simm.s32 @!p0 $0x1BF5;
	p2 =	por !p2, p0  }
0x20: {  	[sflag:s8] =	ssyncset.s32 @!p0 $0xFFFFF086;
	s6 =	sadd.s32 @!p0 s3, s7;
	s7 =	simm.s32 @!p0 $0x108  }
0x21: {  	s3 =	sadd.s32 s3, s9;
	s6 =	sadd.s32 @!p0 $0x88, s6;
	s7 =	simm.s32 @p2 $0x1082  }
0x22: {  	[simem:s7], [sflag:s8] =	dma.local @!p0 [hbm:s6], $0xF7A  }
0x23: {  	s9 =	sor.u32 $0xD0000000, s2;
	s6 =	simm.s32 $0x108;
	_ =	swait.ge @!p0 [sflag:s8], $0x0  }
0x24: {  	s3 =	sadd.s32 $0x88, s3;
	s6 =	simm.s32 @!p1 $0x1082;
	[sflag:s4] =	ssyncset.s32 $0xFFFFF086  }
0x25: {  	[simem:s6], [sflag:s4] =	dma.local [hbm:s3], $0xF7A  }
0x26: {  	[smem:$0x3F99] =	sst s1;
	(tag) =	ssettag s2;
	_ =	strace s9  }
0x27: {  	s1 =	sld [smem:$0x3FA9]  }
0x28: {  	s2 =	sld [smem:$0x3FAA]  }
0x29: {  	s4 =	sld [smem:$0x3FAC]  }
0x2a: {  	p0 =	seq.s32 s5, $0x0;
	s5 =	sld [smem:$0x3FAD]  }
0x2b: {  	s6 =	sld [smem:$0x3FAE]  }
0x2c: {  	s7 =	sld [smem:$0x3FAF]  }
0x2d: {  	s3 =	simm.s32 $0x108;
	s8 =	sld [smem:$0x3FB0]  }
0x2e: {  	s3 =	simm.s32 @!p0 $0x1082;
	s9 =	sld [smem:$0x3FB1]  }
0x2f: {  	lr =	sadd.s32 s0, s3;
	s0 =	sld [smem:$0x3FA8]  }
0x30: {  	s3 =	sld [smem:$0x3FAB]  }
0x31: {  	[smem:$0x3FB4] =	sst s10  }
0x32: {  	s10 =	sld [smem:$0x3FB2];
	_ =	sdelay $0x3  }
0x33: {  	p0 =	seq.s32 s10, $0x1;
	s10 =	sld [smem:$0x3FB4];
	_ =	sdelay $0x3  }
0x34: {  	[smem:$0x3FB4] =	sst s10  }
0x35: {  	s10 =	sld [smem:$0x3FB3];
	_ =	sdelay $0x3  }
0x36: {  	p1 =	seq.s32 s10, $0x1;
	s10 =	sld [smem:$0x3FB4];
	_ =	sdelay $0x3  }
0x37: {  	[smem:$0x3FB4] =	sst s10  }
0x38: {  	s10 =	sld [smem:$0x3FB5]  }
0x39: {  	_ = 	snop;
	(pc) =	sbr.ind lr, $3  }
0x3a: {  	_ = 	snop  }
0x3b: {  	_ = 	snop  }
0x3c: {  	p2 =	seq.s32 s10, $0x1;
	s10 =	sld [smem:$0x3FB4]  }
0x3d: {  	_ =	shalt  }
0x3e: {  	_ =	shalt  }
0x3f: {  	_ =	shalt  }
0x40: {  	_ =	shalt  }
0x41: {  	_ =	shalt  }
0x42: {  	_ =	shalt  }
0x43: {  	_ =	shalt  }
0x44: {  	_ =	shalt  }
0x45: {  	_ =	shalt  }
0x46: {  	_ =	shalt  }
0x47: {  	_ =	shalt  }
0x48: {  	_ =	shalt  }
0x49: {  	_ =	shalt  }
0x4a: {  	_ =	shalt  }
0x4b: {  	_ =	shalt  }
0x4c: {  	_ =	shalt  }
0x4d: {  	_ =	shalt  }
0x4e: {  	_ =	shalt  }
0x4f: {  	_ =	shalt  }
0x50: {  	_ =	shalt  }
0x51: {  	_ =	shalt  }
0x52: {  	_ =	shalt  }
0x53: {  	_ =	shalt  }
0x54: {  	_ =	shalt  }
0x55: {  	_ =	shalt  }
0x56: {  	_ =	shalt  }
0x57: {  	_ =	shalt  }
0x58: {  	_ =	shalt  }
0x59: {  	_ =	shalt  }
0x5a: {  	_ =	shalt  }
0x5b: {  	_ =	shalt  }
0x5c: {  	_ =	shalt  }
0x5d: {  	_ =	shalt  }
0x5e: {  	_ =	shalt  }
0x5f: {  	_ =	shalt  }
0x60: {  	_ =	shalt  }
0x61: {  	_ =	shalt  }
0x62: {  	_ =	shalt  }
0x63: {  	_ =	shalt  }
0x64: {  	_ =	shalt  }
0x65: {  	_ =	shalt  }
0x66: {  	_ =	shalt  }
0x67: {  	_ =	shalt  }
0x68: {  	_ =	shalt  }
0x69: {  	_ =	shalt  }
0x6a: {  	_ =	shalt  }
0x6b: {  	_ =	shalt  }
0x6c: {  	_ =	shalt  }
0x6d: {  	_ =	shalt  }
0x6e: {  	_ =	shalt  }
0x6f: {  	_ =	shalt  }
0x70: {  	_ =	shalt  }
0x71: {  	_ =	shalt  }
0x72: {  	_ =	shalt  }
0x73: {  	_ =	shalt  }
0x74: {  	_ =	shalt  }
0x75: {  	_ =	shalt  }
0x76: {  	_ =	shalt  }
0x77: {  	_ =	shalt  }
0x78: {  	_ =	shalt  }
0x79: {  	_ =	shalt  }
0x7a: {  	_ =	shalt  }
0x7b: {  	_ =	shalt  }
0x7c: {  	_ =	shalt  }
0x7d: {  	_ =	shalt  }
0x7e: {  	_ =	shalt  }
0x7f: {  	_ =	shalt  }
0x80: {  	_ =	shalt  }
0x81: {  	_ =	shalt  }
0x82: {  	_ =	shalt  }
0x83: {  	_ =	shalt  }
0x84: {  	_ =	shalt  }
0x85: {  	_ =	shalt  }
0x86: {  	_ =	shalt  }
0x87: {  	_ =	shalt  }
.Lfunc_end0:
.L_simem_size_0:
called_computation.1_lowered:
.L_overlay_start_0:
0x88: {  	s2 =	sld [smem:$0x3FD9]  }
0x89: {  	s3 =	sld [smem:$0x3FFE];
	_ =	sdelay $0x1  }
0x8a: {  	s1 =	srdreg.scid  }
0x8b: {  	s0 =	sand.u32 $0x1, s1  }
0x8c: {  	s14 =	sshll.u32 s0, $0xA;
	s2 =	sadd.s32 s3, s2  }
0x8d: {  	s2 =	sadd.s32 s2, s14  }
0x8e: {  	[smem:$0x3FC0] =	sst s2  }
0x8f: {  	_ = 	snop  }
0x90: {  	s2 =	sld [smem:$0x3FD0];
	_ =	sdelay $0x2  }
0x91: {  	s15 =	simm.s32 $0xA;
	s4 =	simm.s32 $0x10  }
0x92: {  	[smem:s4], [sflag:s15] =	dma.local [hbm:s2], $0x1  }
0x93: {  	_ =	swait.eq [sflag:s15], $0x1  }
0x94: {  	[sflag:s15] =	ssyncset.done $0x0  }
0x95: {  	[sflag:s15] =	ssyncadd.s32 $0xFFFFFFFF  }
0x96: {  	s16 =	sld [smem:$0x12];
	(tm) =	ssettm $0x1  }
0x97: {  	s17 =	sld [smem:$0x3FFB];
	_ =	sdelay $0x3  }
0x98: {  	_ =	strace s17  }
0x99: {  	s3 =	sld [smem:$0x3FFC];
	_ =	sdelay $0x3  }
0x9a: {  	_ =	strace s3  }
0x9b: {  	s3 =	sld [smem:$0x3FFD];
	_ =	sdelay $0x3  }
0x9c: {  	_ =	strace s3  }
0x9d: {  	_ =	strace $0x8FFFFFFF  }
0x9e: {  	s18 =	sld [smem:$0x3FDB];
	_ =	sdelay $0x1  }
0x9f: {  	s19 =	simm.s32 $_scs_section_size  }
0xa0: {  	s5 =	simm.s32 $_size__tile_overlayer_lowered;
	s6 =	simm.s32 $_tile_overlayer_lowered  }
0xa1: {  	s22 =	simm.s32 $0x1BFF;
	s21 =	sshll.u32 s6, $0x1;
	s3 =	sadd.s32 s19, s18  }
0xa2: {  	s7 =	simm.s32 $0x0;
	s20 =	sshll.u32 s5, $0x1;
	s5 =	sadd.s32 s21, s3  }
0xa3: {  	[timem:s7], [sflag:s22] =	dma.local [hbm:s5], s20  }
0xa4: {  	_ =	swait.ge [sflag:s22], s20  }
0xa5: {  	s4 =	ssub.s32 $0x0, s20;
	[sflag:s22] =	ssyncset.done $0x0  }
0xa6: {  	[sflag:s22] =	ssyncadd.s32 s4;
	_ =	sdelay $0x1  }
0xa7: {  	s23 =	simm.s32 $0x1B8B  }
0xa8: {  	_ =	swait.ge [sflag:s23], $0x1  }
0xa9: {  	[sflag:s23] =	ssyncset.done $0x0  }
0xaa: {  	s25 =	simm.s32 $0x1B8E;
	s24 =	sld [smem:$0x3FFE];
	[sflag:s23] =	ssyncadd.s32 $0xFFFFFFFF  }
0xab: {  	s26 =	simm.s32 $execute0_lowered;
	[smem:$0x3FD2] =	sst s25  }
0xac: {  	s5 =	sshll.u32 s26, $0x1;
	_ =	strace $0x80000046;
	[dreg:$0x1] =	wrdreg $0xFFFFFFFF  }
0xad: {  	s28 =	simm.s32 $_size_execute0_lowered;
	s3 =	sadd.s32 s3, s5;
	[dreg:$0x0] =	wrdreg $0x0  }
0xae: {  	s5 =	sshll.u32 s28, $0x1;
	[dreg:$0x2] =	wrdreg s3  }
0xaf: {  	[dreg:$0x3] =	wrdreg s5  }
0xb0: {  	[dreg:$0x4] =	wrdreg $0xC0  }
0xb1: {  	_ =	task [dreg:s7], $0x5FFFF  }
0xb2: {  	[dreg:$0x1] =	wrdreg $0xFFFFFFFF  }
0xb3: {  	[dreg:$0x0] =	wrdreg $0x60  }
0xb4: {  	[dreg:$0x2] =	wrdreg s24  }
0xb5: {  	[dreg:$0x3] =	wrdreg s16  }
0xb6: {  	[dreg:$0x4] =	wrdreg $0x9  }
0xb7: {  	_ =	task.clear_ibuf [dreg:s7], $0x5FFFF;
	_ =	strace $0x90000046  }
0xb8: {  	s29 =	simm.s32 $0x9;
	_ =	strace $0x80000048  }
0xb9: {  	_ =	swait.ge [sflag:s29], $0x1  }
0xba: {  	[sflag:s29] =	ssyncadd.s32 $0xFFFFFFFF  }
0xbb: {  	_ =	strace $0x90000048  }
0xbc: {  	_ =	sfence  }
0xbd: {  	s30 =	sld [smem:$0x0];
	_ =	sdelay $0x2  }
0xbe: {  	s31 =	sshll.u32 s1, $0xD;
	s1 =	sshrl.u32 s1, $0x2  }
0xbf: {  	s3 =	sand.u32 $0x4000, s31;
	s1 =	sadd.s32 s1, s30  }
0xc0: {  	s0 =	sor.u32 s3, s0;
	s1 =	sshll.u32 s1, $0x11  }
0xc1: {  	s0 =	sor.u32 s1, s0  }
0xc2: {  	s0 =	sadd.s32 $0x8F2B, s0  }
0xc3: {  	[sflag:s0] =	ssyncadd.remote.s32 $0x1  }
0xc4: {  	_ =	sfence.sel $0xFFFF  }
0xc5: {  	[dreg:$0x0] =	wrdreg $0xFFFFFFFF;
	(pc) =	sbr.abs _section_cstart, $3  }
0xc6: {  	[dreg:$0x1] =	wrdreg $0xFFFFFFFF  }
0xc7: {  	_ =	task.clear_ibuf [dreg:s7], $0x2FFFF;
	_ =	strace $0x9FFFFFFF  }
0xc8: {  	(tm) =	ssettm $0x7FFFFFFF  }
0xc9: {  	_ =	shalt  }
tec
execute0_lowered:
.L_overlay_start_1:
0x0: {  	(tag) =	ssettag $0x1  }
0x1: {  	s4 =	rddreg [dreg:$0x0]  }
0x2: {  	s5 =	rddreg [dreg:$0x1]  }
0x3: {  	s0 =	rddreg [dreg:$0x2];
	s1 =	simm.s32 $0x0;
	s2 =	srdreg.scid  }
0x4: {  	[smem:$0x7FF] =	sst s1;
	s6 =	sand.u32 $0x1, s2  }
0x5: {  	s2 =	stileid.u32;
	s3 =	sadd.s32 $0x2E00, s4;
	_ =	strace $0x80000047  }
0x6: {  	s7 =	ssub.s32 $0x2, s6;
	s8 =	smul.u32 $0x24000, s2;
	s10 =	sshll.u32 s2, $0xA  }
0x7: {  	s11 =	sshll.u32 s6, $0x9;
	s6 =	smul.u32 $0x12000, s6;
	s9 =	sshrl.u32 s7, $0x1  }
0x8: {  	s31 =	sor.u32 s11, s10;
	s10 =	simm.s32 $0x1;
	s11 =	simm.s32 $0x0  }
0x9: {  	s8 =	sadd.s32 s8, s4;
	s7 =	ssub.s32 s7, s9;
	s4 =	sadd.s32 s5, s31  }
0xa: {  	s9 =	simm.s32 $0x1000;
	s5 =	smax.u32 s7, $0x1;
	s6 =	sadd.s32 s6, s8  }
0xb: {  	s7 =	simm.s32 $0x2;
	s8 =	simm.s32 $0x80;
	s6 =	sadd.s32 $0x92E00, s6  }
.LBB2_1:
0xc: {  	[tilespmem:s1], [sflag:$0x2] =	stream.linear.gather [hbm4b:s4+s1], $0x1000, $0x38;
	[tilespmem:$0x5800] =	vst v63  }
0xd: {  	_ =	swait.ge [sflag:s7], $0x1000  }
0xe: {  	[sflag:s7] =	ssyncset.done $0x0  }
0xf: {  	s12 =	simm.s32 $0x0;
	[sflag:s7] =	ssyncadd.s32 $0xFFFFF000  }
0x10: {  	[tilespmem:s9], [sflag:$0x1] =	stream.indirect.gather [hbm4b:s3+s8], $0x90, s12, s8, $0xb8;
	[tilespmem:$0x5800] =	vst v63  }
0x11: {  	_ =	swait.ge [sflag:s10], $0x4800  }
0x12: {  	[sflag:s10] =	ssyncset.done $0x0  }
0x13: {  	[sflag:s10] =	ssyncadd.s32 $0xFFFFB800  }
0x14: {  	[hbm4b:s6+s1] =	stream.linear.scatter [tilespmem:s9], [sflag:$0x2], $0x4800, $0x38;
	[tilespmem:$0x5800] =	vst v63  }
0x15: {  	s13 =	simm.s32 $0x200;
	_ =	swait.ge [sflag:s7], $0x4800  }
0x16: {  	s14 =	simm.s32 $0x400;
	s12 =	sadd.s32 $0x900, s6;
	[sflag:s7] =	ssyncset.done $0x0  }
.LBB2_2:
0x17: {  	s15 =	sshra.s32 s13, $0x2  }
0x18: {  	[sflag:s7] =	ssyncadd.s32 $0xFFFFB800;
	s13 =	smov.u32 s14;
	s16 =	sadd.s32 $0x200, s14  }
0x19: {  	[tilespmem:s9], [sflag:$0x1] =	stream.indirect.gather [hbm4b:s3+s8], $0x90, s15, s8, $0xb8;
	[tilespmem:$0x5800] =	vst v63  }
0x1a: {  	p0 =	sne.s32 s14, $0x3E00;
	_ =	swait.ge [sflag:s10], $0x4800  }
.Ltmp0:
0x1b: {  	[sflag:s10] =	ssyncset.done $0x0;
	(pc) =	sbr.rel @p0 .LBB2_2-.Ltmp0, $4  }
0x1c: {  	[sflag:s10] =	ssyncadd.s32 $0xFFFFB800  }
0x1d: {  	[hbm4b:s12+s1] =	stream.linear.scatter [tilespmem:s9], [sflag:$0x2], $0x4800, $0x38;
	[tilespmem:$0x5800] =	vst v63  }
0x1e: {  	_ =	swait.ge [sflag:s7], $0x4800  }
0x1f: {  	s14 =	smov.u32 s16;
	s12 =	sadd.s32 $0x900, s12;
	[sflag:s7] =	ssyncset.done $0x0  }
0x20: {  	s13 =	sshra.s32 s13, $0x2;
	[sflag:s7] =	ssyncadd.s32 $0xFFFFB800  }
0x21: {  	[tilespmem:s9], [sflag:$0x1] =	stream.indirect.gather [hbm4b:s3+s8], $0x90, s13, s8, $0xb8;
	[tilespmem:$0x5800] =	vst v63  }
0x22: {  	s11 =	sadd.s32 $0x1, s11;
	_ =	swait.ge [sflag:s10], $0x4800  }
0x23: {  	p0 =	sne.s32 s11, s5;
	[sflag:s10] =	ssyncset.done $0x0  }
.Ltmp1:
0x24: {  	[sflag:s10] =	ssyncadd.s32 $0xFFFFB800;
	(pc) =	sbr.rel @p0 .LBB2_1-.Ltmp1, $4  }
0x25: {  	[hbm4b:s12+s1] =	stream.linear.scatter [tilespmem:s9], [sflag:$0x2], $0x4800, $0x38;
	[tilespmem:$0x5800] =	vst v63  }
0x26: {  	_ =	swait.ge [sflag:s7], $0x4800  }
0x27: {  	[sflag:s7] =	ssyncset.done $0x0  }
0x28: {  	[sflag:s7] =	ssyncadd.s32 $0xFFFFB800  }
0x29: {  	_ =	sfence.sel $0x180000  }
0x2a: {  	[bflag:$0x0] =	sbarrier.arrive $0xFFFF  }
0x2b: {  	p0 =	sne.s32 s2, $0x0;
	_ =	strace $0x90000047  }
0x2c: {  	s0 =	sadd.s32 @!p0 $0x100000, s0;
	[bflag:$0x2] =	sbarrier.arrive $0xFFFF  }
0x2d: {  	[sflag:s0] =	ssyncadd.tile.s32 @!p0 $0x1;
	_ =	shalt  }
.Lfunc_end2:
_tile_overlayer_lowered:
.L_overlay_start_2:
0x2e: {  	(tag) =	ssettag $0x2  }
0x2f: {  	s0 =	rddreg [dreg:$0x0];
	s2 =	stileid.u32  }
0x30: {  	s1 =	rddreg [dreg:$0x1];
	p0 =	sne.s32 s2, $0x0  }
0x31: {  	s3 =	rddreg [dreg:$0x2];
	[bflag:$0x3] =	sbarrier.arrive $0xFFFF;
	s2 =	simm.s32 @!p0 $0x1C02  }
0x32: {  	[timem:s3], [sflag:s2] =	dma.local @!p0 [hbm:s0], s1  }
0x33: {  	s0 =	simm.s32 @!p0 $0x2  }
0x34: {  	_ =	swait.ge @!p0 [sflag:s0], s1  }
0x35: {  	s1 =	ssub.s32 @!p0 $0x0, s1;
	[sflag:s0] =	ssyncset.done @!p0 $0x0  }
0x36: {  	[sflag:s0] =	ssyncadd.s32 @!p0 s1  }
0x37: {  	[bflag:$0x3] =	sbarrier.arrive $0xFFFF  }
0x38: {  	_ =	shalt  }

// kernel: sparse-core-data-format-call.cloned.1.call-start
scs
called_computation_lowered:
.L_overlay_start_0:
0x0: {  	s2 =	sld [smem:$0x3FD9]  }
0x1: {  	s3 =	sld [smem:$0x3FFE];
	_ =	sdelay $0x1  }
0x2: {  	s1 =	srdreg.scid  }
0x3: {  	s0 =	sand.u32 $0x1, s1  }
0x4: {  	s15 =	sshll.u32 s0, $0xA;
	s2 =	sadd.s32 s3, s2  }
0x5: {  	s2 =	sadd.s32 s2, s15  }
0x6: {  	[smem:$0x3FC0] =	sst s2  }
0x7: {  	_ = 	snop  }
0x8: {  	s2 =	sld [smem:$0x3FD0];
	_ =	sdelay $0x2  }
0x9: {  	s16 =	simm.s32 $0xA;
	s4 =	simm.s32 $0x10  }
0xa: {  	[smem:s4], [sflag:s16] =	dma.local [hbm:s2], $0x1  }
0xb: {  	_ =	swait.eq [sflag:s16], $0x1  }
0xc: {  	[sflag:s16] =	ssyncset.done $0x0  }
0xd: {  	[sflag:s16] =	ssyncadd.s32 $0xFFFFFFFF  }
0xe: {  	s17 =	sld [smem:$0x13];
	(tm) =	ssettm $0x1  }
0xf: {  	s18 =	sld [smem:$0x3FFB];
	_ =	sdelay $0x3  }
0x10: {  	_ =	strace s18  }
0x11: {  	s3 =	sld [smem:$0x3FFC];
	_ =	sdelay $0x3  }
0x12: {  	_ =	strace s3  }
0x13: {  	s3 =	sld [smem:$0x3FFD];
	_ =	sdelay $0x3  }
0x14: {  	_ =	strace s3  }
0x15: {  	_ =	strace $0x8FFFFFFF  }
0x16: {  	s19 =	sld [smem:$0x3FDB];
	_ =	sdelay $0x1  }
0x17: {  	s20 =	simm.s32 $_scs_section_size  }
0x18: {  	s5 =	simm.s32 $_size__tile_overlayer_lowered;
	s6 =	simm.s32 $_tile_overlayer_lowered  }
0x19: {  	s23 =	simm.s32 $0x1BFF;
	s22 =	sshll.u32 s6, $0x1;
	s3 =	sadd.s32 s20, s19  }
0x1a: {  	s7 =	simm.s32 $0x0;
	s21 =	sshll.u32 s5, $0x1;
	s5 =	sadd.s32 s22, s3  }
0x1b: {  	[timem:s7], [sflag:s23] =	dma.local [hbm:s5], s21  }
0x1c: {  	_ =	swait.ge [sflag:s23], s21  }
0x1d: {  	s4 =	ssub.s32 $0x0, s21;
	[sflag:s23] =	ssyncset.done $0x0  }
0x1e: {  	[sflag:s23] =	ssyncadd.s32 s4;
	_ =	sdelay $0x1  }
0x1f: {  	s24 =	simm.s32 $0x1B8B  }
0x20: {  	_ =	swait.ge [sflag:s24], $0x1  }
0x21: {  	[sflag:s24] =	ssyncset.done $0x0  }
0x22: {  	s26 =	simm.s32 $0x1B8E;
	s25 =	sld [smem:$0x3FFE];
	[sflag:s24] =	ssyncadd.s32 $0xFFFFFFFF  }
0x23: {  	s27 =	simm.s32 $execute0_lowered;
	[smem:$0x3FD2] =	sst s26  }
0x24: {  	s5 =	sshll.u32 s27, $0x1;
	_ =	strace $0x80000049;
	[dreg:$0x1] =	wrdreg $0xFFFFFFFF  }
0x25: {  	s28 =	simm.s32 $_size_execute0_lowered;
	s3 =	sadd.s32 s3, s5;
	[dreg:$0x0] =	wrdreg $0x0  }
0x26: {  	s5 =	sshll.u32 s28, $0x1;
	[dreg:$0x2] =	wrdreg s3  }
0x27: {  	[dreg:$0x3] =	wrdreg s5  }
0x28: {  	[dreg:$0x4] =	wrdreg $0xC0  }
0x29: {  	_ =	task [dreg:s7], $0x5FFFF  }
0x2a: {  	[dreg:$0x1] =	wrdreg $0xFFFFFFFF  }
0x2b: {  	[dreg:$0x0] =	wrdreg $0x60  }
0x2c: {  	[dreg:$0x2] =	wrdreg s25  }
0x2d: {  	[dreg:$0x3] =	wrdreg s17  }
0x2e: {  	[dreg:$0x4] =	wrdreg $0x9  }
0x2f: {  	_ =	task.clear_ibuf [dreg:s7], $0x5FFFF;
	_ =	strace $0x90000049  }
0x30: {  	s29 =	simm.s32 $0x9;
	_ =	strace $0x8000004B  }
0x31: {  	_ =	swait.ge [sflag:s29], $0x1  }
0x32: {  	[sflag:s29] =	ssyncadd.s32 $0xFFFFFFFF  }
0x33: {  	_ =	strace $0x9000004B  }
0x34: {  	_ =	sfence  }
0x35: {  	s30 =	sld [smem:$0x0];
	_ =	sdelay $0x2  }
0x36: {  	s31 =	sshll.u32 s1, $0xD;
	s1 =	sshrl.u32 s1, $0x2  }
0x37: {  	s3 =	sand.u32 $0x4000, s31;
	s1 =	sadd.s32 s1, s30  }
0x38: {  	s0 =	sor.u32 s3, s0;
	s1 =	sshll.u32 s1, $0x11  }
0x39: {  	s0 =	sor.u32 s1, s0  }
0x3a: {  	s0 =	sadd.s32 $0x8F2B, s0  }
0x3b: {  	[sflag:s0] =	ssyncadd.remote.s32 $0x1  }
0x3c: {  	_ =	sfence.sel $0xFFFF  }
0x3d: {  	[dreg:$0x0] =	wrdreg $0xFFFFFFFF;
	(pc) =	sbr.abs _section_cstart, $3  }
0x3e: {  	[dreg:$0x1] =	wrdreg $0xFFFFFFFF  }
0x3f: {  	_ =	task.clear_ibuf [dreg:s7], $0x2FFFF;
	_ =	strace $0x9FFFFFFF  }
0x40: {  	(tm) =	ssettm $0x7FFFFFFF  }
0x41: {  	_ =	shalt  }
tec
execute0_lowered:
.L_overlay_start_1:
0x0: {  	(tag) =	ssettag $0x1  }
0x1: {  	s0 =	stileid.u32;
	s4 =	rddreg [dreg:$0x0]  }
0x2: {  	s1 =	srdreg.scid;
	s3 =	rddreg [dreg:$0x1]  }
0x3: {  	s8 =	simm.s32 $0x2;
	s15 =	simm.s32 $0x0;
	s9 =	simm.s32 $0x4000  }
0x4: {  	s18 =	simm.s32 $0x0;
	s2 =	sshll.u32 s0, $0x4;
	s1 =	sshll.u32 s1, $0x8  }
0x5: {  	s16 =	simm.s32 $0x0;
	s17 =	simm.s32 $0x0;
	s1 =	sor.u32 s2, s1  }
0x6: {  	s10 =	simm.s32 $0x0;
	s11 =	simm.s32 $0x0;
	s2 =	sand.u32 $0x180, s1  }
0x7: {  	s14 =	simm.s32 $0x0;
	s4 =	sadd.s32 $0x802E00, s4;
	s5 =	ssub.s32 $0x400, s2  }
0x8: {  	s1 =	rddreg [dreg:$0x2];
	_ =	strace $0x8000004A;
	s6 =	sand.u32 $0x180, s5  }
.Ltmp0:
0x9: {  	p0 =	sne.s32 s6, $0x0;
	s6 =	simm.s32 $0x1;
	(pc) =	sbr.rel .LBB1_1-.Ltmp0, $4  }
0xa: {  	s7 =	sshrl.u32 s5, $0x9;
	s5 =	simm.s32 $0x1;
	s6 =	simm.s32 @!p0 $0x0  }
0xb: {  	s12 =	smov.u32 s2;
	[sflag:s5] =	ssyncpa.u1 $0x0;
	s6 =	sadd.s32 s6, s7  }
0xc: {  	[sflag:s8] =	ssyncpa.u1 $0x0;
	s7 =	sand.u32 $0x7, s0;
	s6 =	sshll.u32 s6, $0x5  }
0xd: {  	p0 =	por $0x0, $0x0;
	s13 =	smov.u32 s7;
	s8 =	sor.u32 $0x1, s6  }
.LBB1_4:
0xe: {  	v5 =	vld [tilespmem:s21+$0xFFFFFFD0];
	[tilespmem:s22+$0x2040 ss:$0x81] =	vst.msk $0xffff, v1  }
0xf: {  	v58 =	vld [tilespmem:s21+$0xFFFFFFE0];
	[tilespmem:s22+$0x2850 ss:$0x81] =	vst.msk $0xffff, v2  }
0x10: {  	s23 =	sshra.s32 s23, $0x2;
	v59 =	vld [tilespmem:s21+$0xFFFFFFF0];
	[tilespmem:s22+$0x3060 ss:$0x81] =	vst.msk $0xffff, v3  }
0x11: {  	v60 =	vld [tilespmem:s21+$0x0];
	[tilespmem:s22+$0x0 ss:$0x81] =	vst.msk $0xffff, v0;
	s20 =	sadd.s32 s23, s20  }
0x12: {  	v61 =	vld [tilespmem:s21+$0x10];
	s25 =	sand.u32 $0x78, s16;
	[tilespmem:s20+$0x3870 ss:$0x81] =	vst.msk $0xffff, v4  }
0x13: {  	v62 =	vld [tilespmem:s21+$0x20];
	s26 =	sshll.u32 s18, $0xA;
	s24 =	sshll.u32 s16, $0x3;
	s27 =	sshll.u32 s18, $0x7;
	[tilespmem:s20+$0x810 ss:$0x81] =	vst.msk $0xffff, v5  }
0x14: {  	v63 =	vld [tilespmem:s21+$0xFFFFFFC0];
	s17 =	sshll.u32 s17, $0x13;
	s15 =	sshll.u32 s15, $0xB;
	s30 =	sand.u32 $0x7, s16;
	[tilespmem:s20+$0x1020 ss:$0x81] =	vst.msk $0xffff, v58  }
0x15: {  	s28 =	sand.u32 $0x2000, s26;
	s29 =	sand.u32 $0x3C00, s24;
	s18 =	sand.u32 $0x380, s27;
	[tilespmem:s20+$0x1830 ss:$0x81] =	vst.msk $0xffff, v59  }
0x16: {  	s17 =	sadd.s32 s3, s17;
	s21 =	sadd.s32 s29, s28;
	s18 =	sor.u32 s25, s18;
	[tilespmem:s20+$0x2040 ss:$0x81] =	vst.msk $0xffff, v60  }
0x17: {  	s15 =	sadd.s32 s15, s17;
	s21 =	sshrl.u32 s21, $0x3;
	s18 =	sshrl.u32 s18, $0x3;
	[tilespmem:s20+$0x2850 ss:$0x81] =	vst.msk $0xffff, v61  }
0x18: {  	s16 =	sshll.u32 s30, $0x12;
	s31 =	sand.u32 $0x780, s21;
	s15 =	sadd.s32 s18, s15;
	[tilespmem:s20+$0x3060 ss:$0x81] =	vst.msk $0xffff, v62  }
0x19: {  	s16 =	sor.u32 $0x80, s16;
	[tilespmem:s20+$0x0 ss:$0x81] =	vst.msk $0xffff, v63;
	s15 =	sadd.s32 s31, s15  }
0x1a: {  	[hbm4b:s15+s16] =	stream.strided.scatter [tilespmem:s19], [sflag:$0x2], $0x4000, s9, s16, $0x20;
	[tilespmem:$0x10100] =	vst v63  }
.LBB1_5:
0x1b: {  	s19 =	sadd.s32 $0x80, s10  }
0x1c: {  	s15 =	simm.s32 $0x1;
	p2 =	sgt.s32 s19, $0xFF  }
0x1d: {  	s15 =	simm.s32 @!p2 $0x0  }
0x1e: {  	s20 =	sadd.s32 s15, s11  }
0x1f: {  	s21 =	smov.u32 s12;
	s15 =	sadd.s32 $0x200, s12;
	p3 =	sgt.s32 s20, $0xF  }
0x20: {  	s21 =	smov.u32 @p3 s15  }
0x21: {  	s22 =	smov.u32 s13;
	s15 =	sadd.s32 $0x8, s13;
	p4 =	sgt.s32 s21, $0x3FF  }
0x22: {  	p1 =	slt.u32 s14, $0x2;
	s22 =	smov.u32 @p4 s15  }
0x23: {  	s18 =	smov.u32 s11;
	s19 =	simm.s32 @p2 $0x0;
	p2 =	sgt.s32 s22, $0x7  }
0x24: {  	s23 =	simm.s32 @!p1 $0x2;
	s22 =	smov.u32 @p2 s7;
	p2 =	sne.s32 s14, s8  }
.Ltmp1:
0x25: {  	s16 =	smov.u32 s12;
	_ =	swait.ge @!p1 [sflag:s23], $0x4000;
	(pc) =	sbr.rel @!p2 .LBB1_6-.Ltmp1, $4  }
0x26: {  	s17 =	smov.u32 s13;
	[sflag:s23] =	ssyncset.done @!p1 $0x0;
	s20 =	simm.s32 @p3 $0x0  }
0x27: {  	p0 =	por !p0, !p0;
	[sflag:s23] =	ssyncadd.s32 @!p1 $0xFFFFC000;
	s11 =	smov.u32 s20  }
0x28: {  	s21 =	smov.u32 @p4 s2;
	s15 =	smov.u32 s10;
	s10 =	smov.u32 s19  }
0x29: {  	s12 =	smov.u32 s21;
	s14 =	sadd.s32 $0x1, s14;
	s13 =	smov.u32 s22  }
.LBB1_1:
0x2a: {  	p1 =	sge.u32 s14, s6;
	s31 =	sadd.s32 $0xFFFFFFFF, s14  }
0x2b: {  	s19 =	sxor.u32 @!p1 $0xFFFFFFFF, s14;
	s20 =	sand.u32 @!p1 $0x78, s10;
	s21 =	sshll.u32 @!p1 s11, $0x8  }
0x2c: {  	s22 =	sshll.u32 @!p1 s10, $0x3;
	s23 =	sshll.u32 @!p1 s11, $0x7;
	s19 =	sshll.u32 @!p1 s19, $0xE  }
0x2d: {  	s21 =	sand.u32 @!p1 $0x800, s21;
	s22 =	sand.u32 @!p1 $0xC00, s22;
	s19 =	sand.u32 @!p1 $0x4000, s19  }
0x2e: {  	s21 =	sadd.s32 @!p1 s21, s22;
	s22 =	sand.u32 @!p1 $0x300, s23;
	s23 =	sand.u32 @!p1 $0x80, s23  }
0x2f: {  	s21 =	sor.u32 @!p1 s22, s21;
	s20 =	sor.u32 @!p1 s20, s23;
	s22 =	sshll.u32 @!p1 s13, $0x13  }
0x30: {  	s23 =	sshll.u32 @!p1 s12, $0x9;
	s21 =	sshrl.u32 @!p1 s21, $0x3;
	s22 =	sadd.s32 @!p1 s4, s22  }
0x31: {  	s20 =	sshrl.u32 @!p1 s20, $0x3;
	s22 =	sadd.s32 @!p1 s23, s22;
	s23 =	sand.u32 @!p1 $0x7, s10  }
0x32: {  	s21 =	sand.u32 @!p1 $0x1E0, s21;
	s20 =	sadd.s32 @!p1 s20, s22;
	s22 =	sshll.u32 @!p1 s23, $0x12  }
0x33: {  	s20 =	sadd.s32 @!p1 s21, s20;
	s21 =	sor.u32 @!p1 $0x80, s22;
	s22 =	simm.s32 @!p1 $0x1000  }
0x34: {  	[tilespmem:s19], [sflag:$0x1] =	stream.strided.gather @!p1 [hbm4b:s20+s21], $0x4000, s22, s21, $0x38;
	[tilespmem:$0x10100] =	vst v63  }
0x35: {  	p1 =	sge.u32 s31, s6  }
.Ltmp2:
0x36: {  	_ = 	snop;
	(pc) =	sbr.rel @p1 .LBB1_5-.Ltmp2, $1  }
0x37: {  	_ =	sdelay $0x3  }
0x38: {  	s19 =	simm.s32 $0x1  }
0x39: {  	_ =	swait.ge [sflag:s5], $0x4000;
	s19 =	simm.s32 @!p0 $0x0  }
0x3a: {  	[sflag:s5] =	ssyncset.done $0x0;
	s20 =	sshll.u32 s19, $0xE  }
0x3b: {  	[sflag:s5] =	ssyncadd.s32 $0xFFFFC000;
	s21 =	sor.u32 $0x40, s20  }
0x3c: {  	s19 =	smul.u32 $0x10200, s19;
	v0 =	vld [tilespmem:s21+$0x30]  }
0x3d: {  	v3 =	vld [tilespmem:s21+$0xFFFFFFD0]  }
0x3e: {  	s19 =	sshrl.u32 s19, $0x2;
	v4 =	vld [tilespmem:s21+$0xFFFFFFE0]  }
0x3f: {  	v5 =	vld [tilespmem:s21+$0xFFFFFFF0];
	s20 =	sor.u32 $0x8000, s19  }
0x40: {  	s31 =	sand.u32 $0x1, s14;
	v1 =	vld [tilespmem:s21+$0x0];
	s22 =	sadd.s32 $0x0, s20  }
0x41: {  	v2 =	vld [tilespmem:s21+$0x10];
	s19 =	smul.u32 $0x10200, s31;
	[tilespmem:s22+$0x3870 ss:$0x81] =	vst.msk $0xffff, v0  }
0x42: {  	[tilespmem:s22+$0x810 ss:$0x81] =	vst.msk $0xffff, v3;
	v3 =	vld [tilespmem:s21+$0x20]  }
0x43: {  	s19 =	sshrl.u32 s19, $0x2;
	v0 =	vld [tilespmem:s21+$0xFFFFFFC0];
	[tilespmem:s22+$0x1020 ss:$0x81] =	vst.msk $0xffff, v4;
	s21 =	sadd.s32 $0x80, s21  }
0x44: {  	s23 =	simm.s32 $0x4;
	s24 =	simm.s32 $0x8;
	s19 =	sor.u32 $0x8000, s19;
	[tilespmem:s22+$0x1830 ss:$0x81] =	vst.msk $0xffff, v5;
	v4 =	vld [tilespmem:s21+$0x30]  }
.LBB1_3:
0x45: {  	p1 =	sne.s32 s24, $0x1FC;
	v5 =	vld [tilespmem:s21+$0xFFFFFFD0];
	[tilespmem:s22+$0x2040 ss:$0x81] =	vst.msk $0xffff, v1  }
0x46: {  	v6 =	vld [tilespmem:s21+$0xFFFFFFE0];
	[tilespmem:s22+$0x2850 ss:$0x81] =	vst.msk $0xffff, v2  }
0x47: {  	s25 =	sshra.s32 s23, $0x2;
	s23 =	smov.u32 s24;
	v7 =	vld [tilespmem:s21+$0xFFFFFFF0];
	[tilespmem:s22+$0x3060 ss:$0x81] =	vst.msk $0xffff, v3  }
.Ltmp3:
0x48: {  	v1 =	vld [tilespmem:s21+$0x0];
	[tilespmem:s22+$0x0 ss:$0x81] =	vst.msk $0xffff, v0;
	s22 =	sadd.s32 s25, s20;
	(pc) =	sbr.rel @p1 .LBB1_3-.Ltmp3, $4  }
0x49: {  	v2 =	vld [tilespmem:s21+$0x10];
	[tilespmem:s22+$0x3870 ss:$0x81] =	vst.msk $0xffff, v4  }
0x4a: {  	[tilespmem:s22+$0x810 ss:$0x81] =	vst.msk $0xffff, v5;
	v3 =	vld [tilespmem:s21+$0x20]  }
0x4b: {  	v0 =	vld [tilespmem:s21+$0xFFFFFFC0];
	[tilespmem:s22+$0x1020 ss:$0x81] =	vst.msk $0xffff, v6;
	s21 =	sadd.s32 $0x80, s21  }
0x4c: {  	s24 =	sadd.s32 $0x4, s24;
	v4 =	vld [tilespmem:s21+$0x30];
	[tilespmem:s22+$0x1830 ss:$0x81] =	vst.msk $0xffff, v7  }
.Ltmp4:
0x4d: {  	_ = 	snop;
	(pc) =	sbr.rel .LBB1_4-.Ltmp4, $1  }
0x4e: {  	_ =	sdelay $0x3  }
.LBB1_6:
0x4f: {  	_ =	sfence.sel $0x180000  }
0x50: {  	s2 =	simm.s32 $0x1;
	[bflag:$0x0] =	sbarrier.arrive $0xFFFF  }
0x51: {  	s31 =	simm.s32 $0x2;
	[sflag:s2] =	ssyncpa.u1 $0x1  }
0x52: {  	[sflag:s31] =	ssyncpa.u1 $0x1  }
0x53: {  	p0 =	sne.s32 s0, $0x0;
	_ =	strace $0x9000004A  }
0x54: {  	s0 =	sadd.s32 @!p0 $0x100000, s1;
	[bflag:$0x2] =	sbarrier.arrive $0xFFFF  }
0x55: {  	[sflag:s0] =	ssyncadd.tile.s32 @!p0 $0x1;
	_ =	shalt  }
.Lfunc_end1:
_tile_overlayer_lowered:
.L_overlay_start_2:
0x56: {  	(tag) =	ssettag $0x2  }
0x57: {  	s0 =	rddreg [dreg:$0x0];
	s2 =	stileid.u32  }
0x58: {  	s1 =	rddreg [dreg:$0x1];
	p0 =	sne.s32 s2, $0x0  }
0x59: {  	s3 =	rddreg [dreg:$0x2];
	[bflag:$0x3] =	sbarrier.arrive $0xFFFF;
	s2 =	simm.s32 @!p0 $0x1C01  }
0x5a: {  	[timem:s3], [sflag:s2] =	dma.local @!p0 [hbm:s0], s1  }
0x5b: {  	s0 =	simm.s32 @!p0 $0x1  }
0x5c: {  	_ =	swait.ge @!p0 [sflag:s0], s1  }
0x5d: {  	s1 =	ssub.s32 @!p0 $0x0, s1;
	[sflag:s0] =	ssyncset.done @!p0 $0x0  }
0x5e: {  	[sflag:s0] =	ssyncadd.s32 @!p0 s1  }
0x5f: {  	[bflag:$0x3] =	sbarrier.arrive $0xFFFF  }
0x60: {  	_ =	shalt  }

</sc_bundles>
